<compile_context>
chip_gen: v7x
topology: tpu7x:2x2x1
jax: 0.10.2.dev20260603
libtpu: 0.0.44.dev20260713+nightly
codegen_flags: <defaults>
</compile_context>

<pallas_src>
import functools

import jax
import jax.numpy as jnp
from jax import lax
from jax.experimental import pallas as pl
from jax.experimental.pallas import tpu as pltpu
from jax.experimental.pallas import tpu_sc as plsc

_B, _H, _W, _C = 4, 192, 192, 96
_HO, _WO = 2 * _H, 2 * _W
_INB = _H * _W * _C
_OUTB = _HO * _WO * _C
_OUT = _B * _OUTB

_NC, _NS, _L = 2, 16, 16
_BPC = _B // _NC
_SH = _BPC * _INB // _NS
_S = 16
_CH = _BPC * _OUTB // _S
_K = 1728
_NBLK = _SH // _K
_NB2 = _NBLK // 2
_NG = _K // _L
_GPC = 12
_NCH = _NG // _GPC
_PB = 1728
_PBW = _PB + _GPC * _L
_PGR = _PBW // _L
_ZS = _CH // _NS
_ZK = 9216
_NZ = _ZS // _ZK
_WPB = _INB // _SH

_mesh = plsc.VectorSubcoreMesh(
    core_axis_name="c", subcore_axis_name="s",
    num_cores=_NC, num_subcores=_NS)


@functools.partial(
    pl.kernel,
    out_type=jax.ShapeDtypeStruct((_OUT,), jnp.float32),
    mesh=_mesh,
    compiler_params=pltpu.CompilerParams(needs_layout_passes=False),
    scratch_types=[
        pltpu.VMEM((_K,), jnp.int32),
        pltpu.VMEM((_K,), jnp.float32),
        pltpu.VMEM((_K,), jnp.int32),
        pltpu.VMEM((_K,), jnp.float32),
        pltpu.VMEM((_PBW,), jnp.int32),
        pltpu.VMEM((_PBW,), jnp.float32),
        pltpu.VMEM((_ZK,), jnp.float32),
        pltpu.VMEM_SHARED((_CH,), jnp.float32),
        pltpu.SemaphoreType.DMA,
        pltpu.SemaphoreType.DMA,
        pltpu.SemaphoreType.DMA,
    ],
)
def _unpool(mask_hbm, upd_hbm, out_hbm,
            mba, uba, mbb, ubb, pidx, pval, zbuf, acc,
            sin_a, sin_b, sz):
  ci = lax.axis_index("c")
  si = lax.axis_index("s")

  def zinit(i, carry):
    zbuf[pl.ds(i * _L, _L)] = jnp.zeros((_L,), jnp.float32)
    return carry
  lax.fori_loop(0, _ZK // _L, zinit, 0)

  in_base = ci * (_BPC * _INB) + si * _SH
  out_base = ci * (_BPC * _OUTB)
  gbase = (ci * _BPC + si // _WPB) * _OUTB

  def start_in(blk, mb, ub, sem):
    base = in_base + blk * _K
    pltpu.async_copy(mask_hbm.at[pl.ds(base, _K)], mb, sem)
    pltpu.async_copy(upd_hbm.at[pl.ds(base, _K)], ub, sem)

  def wait_in(blk, mb, ub, sem):
    base = in_base + blk * _K
    pltpu.make_async_copy(mask_hbm.at[pl.ds(base, _K)], mb, sem).wait()
    pltpu.make_async_copy(upd_hbm.at[pl.ds(base, _K)], ub, sem).wait()

  def flush(pos):
    def clr(t, carry):
      old = pidx[pl.ds(t * _L, _L)]
      keep = (jnp.full((_L,), t * _L, jnp.int32) + lax.iota(jnp.int32, _L)
              ) < jnp.full((_L,), pos, jnp.int32)
      pidx[pl.ds(t * _L, _L)] = jnp.where(
          keep, old, jnp.full((_L,), -1, jnp.int32))
      return carry
    lax.fori_loop(pos // _L, _PGR, clr, 0)
    pltpu.sync_copy(
        pval, acc.at[plsc.Indices(pidx, ignored_value=-1)], add=True)
    return jnp.int32(0)

  def consume(mb, ub, lo, pos):
    chv = jnp.full((_L,), _CH, jnp.uint32)

    def chunk(t, pos):
      lis, vs, cnts = [], [], []
      for u in range(_GPC):
        j = t * _GPC + u
        m = mb[pl.ds(j * _L, _L)]
        v = ub[pl.ds(j * _L, _L)]
        cv = jnp.full((_L,), _C, jnp.int32)
        third = jnp.full((_L,), jnp.float32(1.0 / 3.0))
        q = (lax.shift_right_logical(m, jnp.full((_L,), 5, jnp.int32))
             .astype(jnp.float32) * third).astype(jnp.int32)
        off = jnp.full((_L,), (u % 6) * _L + gbase - lo,
                       jnp.int32) + lax.iota(jnp.int32, _L)
        li = q * cv + off
        mk = plsc.bitcast(li, jnp.uint32) < chv
        lis.append(li)
        vs.append(v)
        cnts.append(plsc.all_reduce_population_count(mk)[0])
      base = pos
      for u in range(_GPC):
        mk = plsc.bitcast(lis[u], jnp.uint32) < chv
        plsc.store_compressed(pidx.at[pl.ds(base, _L)], lis[u], mask=mk)
        plsc.store_compressed(pval.at[pl.ds(base, _L)], vs[u], mask=mk)
        base = base + cnts[u]
      return lax.cond(base >= _PB, flush, lambda p: p, base)
    return lax.fori_loop(0, _NCH, chunk, pos)

  def sweep(s, scarry):
    lo = out_base + s * _CH

    def zstart(t, carry):
      pltpu.async_copy(zbuf, acc.at[pl.ds(si * _ZS + t * _ZK, _ZK)], sz)
      return carry
    lax.fori_loop(0, _NZ, zstart, 0)

    def zwait(t, carry):
      pltpu.make_async_copy(
          zbuf, acc.at[pl.ds(si * _ZS + t * _ZK, _ZK)], sz).wait()
      return carry
    lax.fori_loop(0, _NZ, zwait, 0)
    plsc.subcore_barrier()

    start_in(0, mba, uba, sin_a)
    start_in(1, mbb, ubb, sin_b)

    def pipe(i, pos):
      wait_in(2 * i, mba, uba, sin_a)
      pos = consume(mba, uba, lo, pos)

      @pl.when(i < _NB2 - 1)
      def _():
        start_in(2 * i + 2, mba, uba, sin_a)

      wait_in(2 * i + 1, mbb, ubb, sin_b)
      pos = consume(mbb, ubb, lo, pos)

      @pl.when(i < _NB2 - 1)
      def _():
        start_in(2 * i + 3, mbb, ubb, sin_b)
      return pos
    pos = lax.fori_loop(0, _NB2, pipe, jnp.int32(0))
    flush(pos)
    plsc.subcore_barrier()

    pltpu.sync_copy(acc.at[pl.ds(si * _ZS, _ZS)],
                    out_hbm.at[pl.ds(lo + si * _ZS, _ZS)])
    plsc.subcore_barrier()
    return scarry

  lax.fori_loop(0, _S, sweep, 0)


def kernel(updates, mask):
  m = mask.astype(jnp.int32).reshape(-1)
  u = updates.reshape(-1)
  out = _unpool(m, u)
  return out.reshape(_B, _HO, _WO, _C)

# --- scband reference (transcript-rebuilt; emitter-appended) ---
"""Pipeline reference for scband-max-unpooling2-d-4123168604810 (READ-ONLY COPY).

The authoritative reference and input builder live on the scoring server;
editing this copy changes nothing except your own understanding.
"""

import jax, jax.numpy as jnp
import numpy as np

SIZE = (2, 2)

def setup_inputs(seed: int = 0) -> dict:
    key = jax.random.key(seed)
    k1, k2 = jax.random.split(key)
    B, H, W, C = 4, 192, 192, 96
    Ho, Wo = H * SIZE[0], W * SIZE[1]
    updates = jax.random.normal(k1, (B, H, W, C), dtype=jnp.float32)
    mask = jax.random.randint(k2, (B, H, W, C), 0, Ho * Wo * C, dtype=jnp.int64)
    return {"updates": updates, "mask": mask}

def reference(updates, mask):
    # Faithful translation of MaxUnpooling2D.call with output_shape=None
    mask = mask.astype(jnp.int32)
    B, H, W, C = updates.shape
    Ho, Wo = H * SIZE[0], W * SIZE[1]
    output_shape = (B, Ho, Wo, C)
    one_like_mask = jnp.ones_like(mask, dtype=jnp.int32)
    batch_range = jnp.arange(B, dtype=jnp.int32).reshape(B, 1, 1, 1)
    b = one_like_mask * batch_range
    y = mask // (Wo * C)
    x = (mask // C) % Wo
    feature_range = jnp.arange(C, dtype=jnp.int32)
    f = one_like_mask * feature_range
    updates_size = updates.size
    indices = jnp.transpose(jnp.reshape(jnp.stack([b, y, x, f]), (4, updates_size)))
    values = jnp.reshape(updates, (updates_size,))
    # tf.scatter_nd accumulates on duplicate indices -> .at[...].add
    ret = jnp.zeros(output_shape, dtype=updates.dtype).at[
        indices[:, 0], indices[:, 1], indices[:, 2], indices[:, 3]
    ].add(values)
    ret = jnp.reshape(ret, output_shape)
    return ret

if __name__ == "__main__":
    import jax
    _d = setup_inputs()
    print(jax.jit(kernel)(*tuple(_d.values())))

</pallas_src>

<mosaic_0001>
#map = affine_map<(d0, d1) -> (0)>
module attributes {stable_mosaic.version = 14 : i64} {
  func.func @_unpool(%arg0: i32, %arg1: i32, %arg2: memref<14155776xi32, #tpu.memory_space<hbm>>, %arg3: memref<14155776xf32, #tpu.memory_space<hbm>>, %arg4: memref<56623104xf32, #tpu.memory_space<hbm>>, %arg5: memref<1728xi32, #tpu.memory_space<vmem>>, %arg6: memref<1728xf32, #tpu.memory_space<vmem>>, %arg7: memref<1728xi32, #tpu.memory_space<vmem>>, %arg8: memref<1728xf32, #tpu.memory_space<vmem>>, %arg9: memref<1920xi32, #tpu.memory_space<vmem>>, %arg10: memref<1920xf32, #tpu.memory_space<vmem>>, %arg11: memref<9216xf32, #tpu.memory_space<vmem>>, %arg12: memref<1769472xf32, #tpu.memory_space<vmem_shared>>, %arg13: memref<!tpu.dma_semaphore, #tpu.memory_space<semaphore_mem>>, %arg14: memref<!tpu.dma_semaphore, #tpu.memory_space<semaphore_mem>>, %arg15: memref<!tpu.dma_semaphore, #tpu.memory_space<semaphore_mem>>) attributes {dimension_semantics = [#tpu.dimension_semantics<core_parallel>, #tpu.dimension_semantics<subcore_parallel>], iteration_bounds = array<i64: 2, 16>, scalar_prefetch = 0 : i64, scratch_operands = 11 : i64, tpu.core_type = #tpu.core_type<sc_vector_subcore>, window_params = [{transform_indices = #map}, {transform_indices = #map}, {transform_indices = #map}]} {
    %scan3A = arith.constant 0 : i32
    %scan3A_0 = arith.constant 0 : i32
    %scan3A_1 = arith.constant 576 : i32
    %scan3A_2 = arith.addi %scan3A_0, %scan3A_1 : i32
    %scan3A_3 = arith.constant 1 : i32
    scf.for %scan3A_37 = %scan3A_0 to %scan3A_2 step %scan3A_3  : i32 {
      %broadcast_in_dim3A = arith.constant 0.000000e+00 : f32
      %broadcast_in_dim3A_38 = vector.broadcast %broadcast_in_dim3A : f32 to vector<16xf32>
      %mul3A_39 = arith.constant 16 : i32
      %mul3A_40 = arith.muli %scan3A_37, %mul3A_39 : i32
      %swap3A = arith.index_cast %mul3A_40 : i32 to index
      %swap3A_41 = tpu.vector_load %arg11[%swap3A] {strides = array<i32>} : memref<9216xf32, #tpu.memory_space<vmem>>, vector<16xf32>,
      tpu.vector_store %arg11[%swap3A], %broadcast_in_dim3A_38 {strides = array<i32>} : memref<9216xf32, #tpu.memory_space<vmem>>, vector<16xf32>,
    }
    %scan3A_4 = arith.constant 576 : i32
    %mul3A = arith.constant 7077888 : i32
    %mul3A_5 = arith.muli %arg0, %mul3A : i32
    %mul3A_6 = arith.constant 442368 : i32
    %mul3A_7 = arith.muli %arg1, %mul3A_6 : i32
    %add3A = arith.addi %mul3A_5, %mul3A_7 : i32
    %mul3A_8 = arith.constant 28311552 : i32
    %mul3A_9 = arith.muli %arg0, %mul3A_8 : i32
    %mul3A_10 = arith.constant 2 : i32
    %mul3A_11 = arith.muli %arg0, %mul3A_10 : i32
    %jit3A = arith.constant 8 : i32
    %div3A = arith.divsi %arg1, %jit3A : i32
    %sign3A = arith.constant 0 : i32
    %sign3A_12 = arith.cmpi sgt, %arg1, %sign3A : i32
    %sign3A_13 = arith.extui %sign3A_12 : i1 to i32
    %sign3A_14 = arith.constant 0 : i32
    %sign3A_15 = arith.cmpi slt, %arg1, %sign3A_14 : i32
    %sign3A_16 = arith.extui %sign3A_15 : i1 to i32
    %sign3A_17 = arith.subi %sign3A_13, %sign3A_16 : i32
    %sign3A_18 = arith.constant 0 : i32
    %sign3A_19 = arith.cmpi sgt, %jit3A, %sign3A_18 : i32
    %sign3A_20 = arith.extui %sign3A_19 : i1 to i32
    %sign3A_21 = arith.constant 0 : i32
    %sign3A_22 = arith.cmpi slt, %jit3A, %sign3A_21 : i32
    %sign3A_23 = arith.extui %sign3A_22 : i1 to i32
    %sign3A_24 = arith.subi %sign3A_20, %sign3A_23 : i32
    %ne3A = arith.cmpi ne, %sign3A_17, %sign3A_24 : i32
    %rem3A = arith.remsi %arg1, %jit3A : i32
    %ne3A_25 = arith.constant 0 : i32
    %ne3A_26 = arith.cmpi ne, %rem3A, %ne3A_25 : i32
    %and3A = arith.andi %ne3A, %ne3A_26 : i1
    %sub3A = arith.constant 1 : i32
    %sub3A_27 = arith.subi %div3A, %sub3A : i32
    %select_n3A = arith.select %and3A, %sub3A_27, %div3A : i32
    %add3A_28 = arith.addi %mul3A_11, %select_n3A : i32
    %mul3A_29 = arith.constant 14155776 : i32
    %mul3A_30 = arith.muli %add3A_28, %mul3A_29 : i32
    %scan3A_31 = arith.constant 0 : i32
    %scan3A_32 = arith.constant 0 : i32
    %scan3A_33 = arith.constant 16 : i32
    %scan3A_34 = arith.addi %scan3A_32, %scan3A_33 : i32
    %scan3A_35 = arith.constant 1 : i32
    scf.for %scan3A_37 = %scan3A_32 to %scan3A_34 step %scan3A_35  : i32 {
      %mul3A_38 = arith.constant 1769472 : i32
      %mul3A_39 = arith.muli %scan3A_37, %mul3A_38 : i32
      %add3A_40 = arith.addi %mul3A_9, %mul3A_39 : i32
      %scan3A_41 = arith.constant 0 : i32
      %scan3A_42 = arith.constant 0 : i32
      %scan3A_43 = arith.constant 12 : i32
      %scan3A_44 = arith.addi %scan3A_42, %scan3A_43 : i32
      %scan3A_45 = arith.constant 1 : i32
      scf.for %scan3A_111 = %scan3A_42 to %scan3A_44 step %scan3A_45  : i32 {
        %mul3A_112 = arith.constant 110592 : i32
        %mul3A_113 = arith.muli %arg1, %mul3A_112 : i32
        %mul3A_114 = arith.constant 9216 : i32
        %mul3A_115 = arith.muli %scan3A_111, %mul3A_114 : i32
        %add3A_116 = arith.addi %mul3A_113, %mul3A_115 : i32
        %dma_start3A_117 = tpu.memref_slice %arg12[%add3A_116] : memref<1769472xf32, #tpu.memory_space<vmem_shared>> -> memref<9216xf32, #tpu.memory_space<vmem_shared>>
        %dma_start3A_118 = tpu.memref_slice %arg12[%add3A_116] : memref<1769472xf32, #tpu.memory_space<vmem_shared>> -> memref<9216xf32, #tpu.memory_space<vmem_shared>>
        tpu.enqueue_dma source(%arg11 : memref<9216xf32, #tpu.memory_space<vmem>>) target(%dma_start3A_118 : memref<9216xf32, #tpu.memory_space<vmem_shared>>) target_semaphore(%arg15 : memref<!tpu.dma_semaphore, #tpu.memory_space<semaphore_mem>>)
      }
      %scan3A_46 = arith.constant 12 : i32
      %scan3A_47 = arith.constant 0 : i32
      %scan3A_48 = arith.constant 0 : i32
      %scan3A_49 = arith.constant 12 : i32
      %scan3A_50 = arith.addi %scan3A_48, %scan3A_49 : i32
      %scan3A_51 = arith.constant 1 : i32
      scf.for %scan3A_111 = %scan3A_48 to %scan3A_50 step %scan3A_51  : i32 {
        %mul3A_112 = arith.constant 110592 : i32
        %mul3A_113 = arith.muli %arg1, %mul3A_112 : i32
        %mul3A_114 = arith.constant 9216 : i32
        %mul3A_115 = arith.muli %scan3A_111, %mul3A_114 : i32
        %add3A_116 = arith.addi %mul3A_113, %mul3A_115 : i32
        %dma_wait3A = tpu.memref_slice %arg12[%add3A_116] : memref<1769472xf32, #tpu.memory_space<vmem_shared>> -> memref<9216xf32, #tpu.memory_space<vmem_shared>>
        %dma_wait3A_117 = tpu.memref_slice %arg12[%add3A_116] : memref<1769472xf32, #tpu.memory_space<vmem_shared>> -> memref<9216xf32, #tpu.memory_space<vmem_shared>>
        tpu.wait_dma2 semaphore(%arg15 : memref<!tpu.dma_semaphore, #tpu.memory_space<semaphore_mem>>) src(%arg11 : memref<9216xf32, #tpu.memory_space<vmem>>) dst(%dma_wait3A_117 : memref<9216xf32, #tpu.memory_space<vmem_shared>>)
      }
      %scan3A_52 = arith.constant 12 : i32
      %barrier3A = arith.constant 0 : index
      tpu.barrier barrier_id(%barrier3A)
      %add3A_53 = arith.constant 0 : i32
      %add3A_54 = arith.addi %add3A, %add3A_53 : i32
      %dma_start3A = tpu.memref_slice %arg2[%add3A_54] : memref<14155776xi32, #tpu.memory_space<hbm>> -> memref<1728xi32, #tpu.memory_space<hbm>>
      %dma_start3A_55 = tpu.memref_slice %arg2[%add3A_54] : memref<14155776xi32, #tpu.memory_space<hbm>> -> memref<1728xi32, #tpu.memory_space<hbm>>
      tpu.enqueue_dma source(%dma_start3A_55 : memref<1728xi32, #tpu.memory_space<hbm>>) target(%arg5 : memref<1728xi32, #tpu.memory_space<vmem>>) target_semaphore(%arg13 : memref<!tpu.dma_semaphore, #tpu.memory_space<semaphore_mem>>)
      %dma_start3A_56 = tpu.memref_slice %arg3[%add3A_54] : memref<14155776xf32, #tpu.memory_space<hbm>> -> memref<1728xf32, #tpu.memory_space<hbm>>
      %dma_start3A_57 = tpu.memref_slice %arg3[%add3A_54] : memref<14155776xf32, #tpu.memory_space<hbm>> -> memref<1728xf32, #tpu.memory_space<hbm>>
      tpu.enqueue_dma source(%dma_start3A_57 : memref<1728xf32, #tpu.memory_space<hbm>>) target(%arg6 : memref<1728xf32, #tpu.memory_space<vmem>>) target_semaphore(%arg13 : memref<!tpu.dma_semaphore, #tpu.memory_space<semaphore_mem>>)
      %add3A_58 = arith.constant 1728 : i32
      %add3A_59 = arith.addi %add3A, %add3A_58 : i32
      %dma_start3A_60 = tpu.memref_slice %arg2[%add3A_59] : memref<14155776xi32, #tpu.memory_space<hbm>> -> memref<1728xi32, #tpu.memory_space<hbm>>
      %dma_start3A_61 = tpu.memref_slice %arg2[%add3A_59] : memref<14155776xi32, #tpu.memory_space<hbm>> -> memref<1728xi32, #tpu.memory_space<hbm>>
      tpu.enqueue_dma source(%dma_start3A_61 : memref<1728xi32, #tpu.memory_space<hbm>>) target(%arg7 : memref<1728xi32, #tpu.memory_space<vmem>>) target_semaphore(%arg14 : memref<!tpu.dma_semaphore, #tpu.memory_space<semaphore_mem>>)
      %dma_start3A_62 = tpu.memref_slice %arg3[%add3A_59] : memref<14155776xf32, #tpu.memory_space<hbm>> -> memref<1728xf32, #tpu.memory_space<hbm>>
      %dma_start3A_63 = tpu.memref_slice %arg3[%add3A_59] : memref<14155776xf32, #tpu.memory_space<hbm>> -> memref<1728xf32, #tpu.memory_space<hbm>>
      tpu.enqueue_dma source(%dma_start3A_63 : memref<1728xf32, #tpu.memory_space<hbm>>) target(%arg8 : memref<1728xf32, #tpu.memory_space<vmem>>) target_semaphore(%arg14 : memref<!tpu.dma_semaphore, #tpu.memory_space<semaphore_mem>>)
      %scan3A_64 = arith.constant 0 : i32
      %scan3A_65 = arith.constant 0 : i32
      %scan3A_66 = arith.constant 128 : i32
      %scan3A_67 = arith.addi %scan3A_65, %scan3A_66 : i32
      %scan3A_68 = arith.constant 1 : i32
      %scan3A_69 = scf.for %scan3A_111 = %scan3A_65 to %scan3A_67 step %scan3A_68 iter_args(%scan3A_112 = %scan3A_64) -> (i32)  : i32 {
        %mul3A_113 = arith.constant 2 : i32
        %mul3A_114 = arith.muli %mul3A_113, %scan3A_111 : i32
        %mul3A_115 = arith.constant 1728 : i32
        %mul3A_116 = arith.muli %mul3A_114, %mul3A_115 : i32
        %add3A_117 = arith.addi %add3A, %mul3A_116 : i32
        %dma_wait3A = tpu.memref_slice %arg2[%add3A_117] : memref<14155776xi32, #tpu.memory_space<hbm>> -> memref<1728xi32, #tpu.memory_space<hbm>>
        %dma_wait3A_118 = tpu.memref_slice %arg2[%add3A_117] : memref<14155776xi32, #tpu.memory_space<hbm>> -> memref<1728xi32, #tpu.memory_space<hbm>>
        tpu.wait_dma2 semaphore(%arg13 : memref<!tpu.dma_semaphore, #tpu.memory_space<semaphore_mem>>) src(%dma_wait3A_118 : memref<1728xi32, #tpu.memory_space<hbm>>) dst(%arg5 : memref<1728xi32, #tpu.memory_space<vmem>>)
        %dma_wait3A_119 = tpu.memref_slice %arg3[%add3A_117] : memref<14155776xf32, #tpu.memory_space<hbm>> -> memref<1728xf32, #tpu.memory_space<hbm>>
        %dma_wait3A_120 = tpu.memref_slice %arg3[%add3A_117] : memref<14155776xf32, #tpu.memory_space<hbm>> -> memref<1728xf32, #tpu.memory_space<hbm>>
        tpu.wait_dma2 semaphore(%arg13 : memref<!tpu.dma_semaphore, #tpu.memory_space<semaphore_mem>>) src(%dma_wait3A_120 : memref<1728xf32, #tpu.memory_space<hbm>>) dst(%arg6 : memref<1728xf32, #tpu.memory_space<vmem>>)
        %broadcast_in_dim3A = arith.constant 1769472 : i32
        %broadcast_in_dim3A_121 = vector.broadcast %broadcast_in_dim3A : i32 to vector<16xi32>
        %scan3A_122 = arith.constant 0 : i32
        %scan3A_123 = arith.constant 9 : i32
        %scan3A_124 = arith.addi %scan3A_122, %scan3A_123 : i32
        %scan3A_125 = arith.constant 1 : i32
        %scan3A_126 = scf.for %scan3A_154 = %scan3A_122 to %scan3A_124 step %scan3A_125 iter_args(%scan3A_155 = %scan3A_112) -> (i32)  : i32 {
          %mul3A_156 = arith.constant 12 : i32
          %mul3A_157 = arith.muli %scan3A_154, %mul3A_156 : i32
          %add3A_158 = arith.constant 0 : i32
          %add3A_159 = arith.addi %mul3A_157, %add3A_158 : i32
          %mul3A_160 = arith.constant 16 : i32
          %mul3A_161 = arith.muli %add3A_159, %mul3A_160 : i32
          %get3A = arith.index_cast %mul3A_161 : i32 to index
          %get3A_162 = tpu.vector_load %arg5[%get3A] {strides = array<i32>} : memref<1728xi32, #tpu.memory_space<vmem>>, vector<16xi32>,
          %mul3A_163 = arith.constant 16 : i32
          %mul3A_164 = arith.muli %add3A_159, %mul3A_163 : i32
          %get3A_165 = arith.index_cast %mul3A_164 : i32 to index
          %get3A_166 = tpu.vector_load %arg6[%get3A_165] {strides = array<i32>} : memref<1728xf32, #tpu.memory_space<vmem>>, vector<16xf32>,
          %broadcast_in_dim3A_167 = arith.constant 96 : i32
          %broadcast_in_dim3A_168 = vector.broadcast %broadcast_in_dim3A_167 : i32 to vector<16xi32>
          %broadcast_in_dim3A_169 = arith.constant 0.333333343 : f32
          %broadcast_in_dim3A_170 = vector.broadcast %broadcast_in_dim3A_169 : f32 to vector<16xf32>
          %broadcast_in_dim3A_171 = arith.constant 5 : i32
          %broadcast_in_dim3A_172 = vector.broadcast %broadcast_in_dim3A_171 : i32 to vector<16xi32>
          %shift_right_logical3A = arith.shrui %get3A_162, %broadcast_in_dim3A_172 : vector<16xi32>
          %convert_element_type3A_173 = arith.sitofp %shift_right_logical3A : vector<16xi32> to vector<16xf32>
          %mul3A_174 = arith.mulf %convert_element_type3A_173, %broadcast_in_dim3A_170 : vector<16xf32>
          %convert_element_type3A_175 = arith.fptosi %mul3A_174 : vector<16xf32> to vector<16xi32>
          %add3A_176 = arith.constant 0 : i32
          %add3A_177 = arith.addi %add3A_176, %mul3A_30 : i32
          %sub3A_178 = arith.subi %add3A_177, %add3A_40 : i32
          %broadcast_in_dim3A_179 = vector.broadcast %sub3A_178 : i32 to vector<16xi32>
          %iota3A = tpu.iota {dimensions = array<i32: 0>} : vector<16xi32>
          %add3A_180 = arith.addi %broadcast_in_dim3A_179, %iota3A : vector<16xi32>
          %mul3A_181 = arith.muli %convert_element_type3A_175, %broadcast_in_dim3A_168 : vector<16xi32>
          %add3A_182 = arith.addi %mul3A_181, %add3A_180 : vector<16xi32>
          %bitcast3A = vector.bitcast %add3A_182 : vector<16xi32> to vector<16xi32>
          %lt3A_183 = arith.cmpi ult, %bitcast3A, %broadcast_in_dim3A_121 : vector<16xi32>
          %all_reduce_population_count3A = tpu.all_reduce %lt3A_183 {dim = 0 : i64, kind = #tpu.reduction_kind<sum>} : vector<16xi1> -> vector<16xi32>
          %slice3A = vector.extract_strided_slice %all_reduce_population_count3A {offsets = [0], sizes = [1], strides = [1]} : vector<16xi32> to vector<1xi32>
          %squeeze3A = vector.extract %slice3A[0] : i32 from vector<1xi32>
          %mul3A_184 = arith.constant 12 : i32
          %mul3A_185 = arith.muli %scan3A_154, %mul3A_184 : i32
          %add3A_186 = arith.constant 1 : i32
          %add3A_187 = arith.addi %mul3A_185, %add3A_186 : i32
          %mul3A_188 = arith.constant 16 : i32
          %mul3A_189 = arith.muli %add3A_187, %mul3A_188 : i32
          %get3A_190 = arith.index_cast %mul3A_189 : i32 to index
          %get3A_191 = tpu.vector_load %arg5[%get3A_190] {strides = array<i32>} : memref<1728xi32, #tpu.memory_space<vmem>>, vector<16xi32>,
          %mul3A_192 = arith.constant 16 : i32
          %mul3A_193 = arith.muli %add3A_187, %mul3A_192 : i32
          %get3A_194 = arith.index_cast %mul3A_193 : i32 to index
          %get3A_195 = tpu.vector_load %arg6[%get3A_194] {strides = array<i32>} : memref<1728xf32, #tpu.memory_space<vmem>>, vector<16xf32>,
          %broadcast_in_dim3A_196 = arith.constant 96 : i32
          %broadcast_in_dim3A_197 = vector.broadcast %broadcast_in_dim3A_196 : i32 to vector<16xi32>
          %broadcast_in_dim3A_198 = arith.constant 0.333333343 : f32
          %broadcast_in_dim3A_199 = vector.broadcast %broadcast_in_dim3A_198 : f32 to vector<16xf32>
          %broadcast_in_dim3A_200 = arith.constant 5 : i32
          %broadcast_in_dim3A_201 = vector.broadcast %broadcast_in_dim3A_200 : i32 to vector<16xi32>
          %shift_right_logical3A_202 = arith.shrui %get3A_191, %broadcast_in_dim3A_201 : vector<16xi32>
          %convert_element_type3A_203 = arith.sitofp %shift_right_logical3A_202 : vector<16xi32> to vector<16xf32>
          %mul3A_204 = arith.mulf %convert_element_type3A_203, %broadcast_in_dim3A_199 : vector<16xf32>
          %convert_element_type3A_205 = arith.fptosi %mul3A_204 : vector<16xf32> to vector<16xi32>
          %add3A_206 = arith.constant 16 : i32
          %add3A_207 = arith.addi %add3A_206, %mul3A_30 : i32
          %sub3A_208 = arith.subi %add3A_207, %add3A_40 : i32
          %broadcast_in_dim3A_209 = vector.broadcast %sub3A_208 : i32 to vector<16xi32>
          %iota3A_210 = tpu.iota {dimensions = array<i32: 0>} : vector<16xi32>
          %add3A_211 = arith.addi %broadcast_in_dim3A_209, %iota3A_210 : vector<16xi32>
          %mul3A_212 = arith.muli %convert_element_type3A_205, %broadcast_in_dim3A_197 : vector<16xi32>
          %add3A_213 = arith.addi %mul3A_212, %add3A_211 : vector<16xi32>
          %bitcast3A_214 = vector.bitcast %add3A_213 : vector<16xi32> to vector<16xi32>
          %lt3A_215 = arith.cmpi ult, %bitcast3A_214, %broadcast_in_dim3A_121 : vector<16xi32>
          %all_reduce_population_count3A_216 = tpu.all_reduce %lt3A_215 {dim = 0 : i64, kind = #tpu.reduction_kind<sum>} : vector<16xi1> -> vector<16xi32>
          %slice3A_217 = vector.extract_strided_slice %all_reduce_population_count3A_216 {offsets = [0], sizes = [1], strides = [1]} : vector<16xi32> to vector<1xi32>
          %squeeze3A_218 = vector.extract %slice3A_217[0] : i32 from vector<1xi32>
          %mul3A_219 = arith.constant 12 : i32
          %mul3A_220 = arith.muli %scan3A_154, %mul3A_219 : i32
          %add3A_221 = arith.constant 2 : i32
          %add3A_222 = arith.addi %mul3A_220, %add3A_221 : i32
          %mul3A_223 = arith.constant 16 : i32
          %mul3A_224 = arith.muli %add3A_222, %mul3A_223 : i32
          %get3A_225 = arith.index_cast %mul3A_224 : i32 to index
          %get3A_226 = tpu.vector_load %arg5[%get3A_225] {strides = array<i32>} : memref<1728xi32, #tpu.memory_space<vmem>>, vector<16xi32>,
          %mul3A_227 = arith.constant 16 : i32
          %mul3A_228 = arith.muli %add3A_222, %mul3A_227 : i32
          %get3A_229 = arith.index_cast %mul3A_228 : i32 to index
          %get3A_230 = tpu.vector_load %arg6[%get3A_229] {strides = array<i32>} : memref<1728xf32, #tpu.memory_space<vmem>>, vector<16xf32>,
          %broadcast_in_dim3A_231 = arith.constant 96 : i32
          %broadcast_in_dim3A_232 = vector.broadcast %broadcast_in_dim3A_231 : i32 to vector<16xi32>
          %broadcast_in_dim3A_233 = arith.constant 0.333333343 : f32
          %broadcast_in_dim3A_234 = vector.broadcast %broadcast_in_dim3A_233 : f32 to vector<16xf32>
          %broadcast_in_dim3A_235 = arith.constant 5 : i32
          %broadcast_in_dim3A_236 = vector.broadcast %broadcast_in_dim3A_235 : i32 to vector<16xi32>
          %shift_right_logical3A_237 = arith.shrui %get3A_226, %broadcast_in_dim3A_236 : vector<16xi32>
          %convert_element_type3A_238 = arith.sitofp %shift_right_logical3A_237 : vector<16xi32> to vector<16xf32>
          %mul3A_239 = arith.mulf %convert_element_type3A_238, %broadcast_in_dim3A_234 : vector<16xf32>
          %convert_element_type3A_240 = arith.fptosi %mul3A_239 : vector<16xf32> to vector<16xi32>
          %add3A_241 = arith.constant 32 : i32
          %add3A_242 = arith.addi %add3A_241, %mul3A_30 : i32
          %sub3A_243 = arith.subi %add3A_242, %add3A_40 : i32
          %broadcast_in_dim3A_244 = vector.broadcast %sub3A_243 : i32 to vector<16xi32>
          %iota3A_245 = tpu.iota {dimensions = array<i32: 0>} : vector<16xi32>
          %add3A_246 = arith.addi %broadcast_in_dim3A_244, %iota3A_245 : vector<16xi32>
          %mul3A_247 = arith.muli %convert_element_type3A_240, %broadcast_in_dim3A_232 : vector<16xi32>
          %add3A_248 = arith.addi %mul3A_247, %add3A_246 : vector<16xi32>
          %bitcast3A_249 = vector.bitcast %add3A_248 : vector<16xi32> to vector<16xi32>
          %lt3A_250 = arith.cmpi ult, %bitcast3A_249, %broadcast_in_dim3A_121 : vector<16xi32>
          %all_reduce_population_count3A_251 = tpu.all_reduce %lt3A_250 {dim = 0 : i64, kind = #tpu.reduction_kind<sum>} : vector<16xi1> -> vector<16xi32>
          %slice3A_252 = vector.extract_strided_slice %all_reduce_population_count3A_251 {offsets = [0], sizes = [1], strides = [1]} : vector<16xi32> to vector<1xi32>
          %squeeze3A_253 = vector.extract %slice3A_252[0] : i32 from vector<1xi32>
          %mul3A_254 = arith.constant 12 : i32
          %mul3A_255 = arith.muli %scan3A_154, %mul3A_254 : i32
          %add3A_256 = arith.constant 3 : i32
          %add3A_257 = arith.addi %mul3A_255, %add3A_256 : i32
          %mul3A_258 = arith.constant 16 : i32
          %mul3A_259 = arith.muli %add3A_257, %mul3A_258 : i32
          %get3A_260 = arith.index_cast %mul3A_259 : i32 to index
          %get3A_261 = tpu.vector_load %arg5[%get3A_260] {strides = array<i32>} : memref<1728xi32, #tpu.memory_space<vmem>>, vector<16xi32>,
          %mul3A_262 = arith.constant 16 : i32
          %mul3A_263 = arith.muli %add3A_257, %mul3A_262 : i32
          %get3A_264 = arith.index_cast %mul3A_263 : i32 to index
          %get3A_265 = tpu.vector_load %arg6[%get3A_264] {strides = array<i32>} : memref<1728xf32, #tpu.memory_space<vmem>>, vector<16xf32>,
          %broadcast_in_dim3A_266 = arith.constant 96 : i32
          %broadcast_in_dim3A_267 = vector.broadcast %broadcast_in_dim3A_266 : i32 to vector<16xi32>
          %broadcast_in_dim3A_268 = arith.constant 0.333333343 : f32
          %broadcast_in_dim3A_269 = vector.broadcast %broadcast_in_dim3A_268 : f32 to vector<16xf32>
          %broadcast_in_dim3A_270 = arith.constant 5 : i32
          %broadcast_in_dim3A_271 = vector.broadcast %broadcast_in_dim3A_270 : i32 to vector<16xi32>
          %shift_right_logical3A_272 = arith.shrui %get3A_261, %broadcast_in_dim3A_271 : vector<16xi32>
          %convert_element_type3A_273 = arith.sitofp %shift_right_logical3A_272 : vector<16xi32> to vector<16xf32>
          %mul3A_274 = arith.mulf %convert_element_type3A_273, %broadcast_in_dim3A_269 : vector<16xf32>
          %convert_element_type3A_275 = arith.fptosi %mul3A_274 : vector<16xf32> to vector<16xi32>
          %add3A_276 = arith.constant 48 : i32
          %add3A_277 = arith.addi %add3A_276, %mul3A_30 : i32
          %sub3A_278 = arith.subi %add3A_277, %add3A_40 : i32
          %broadcast_in_dim3A_279 = vector.broadcast %sub3A_278 : i32 to vector<16xi32>
          %iota3A_280 = tpu.iota {dimensions = array<i32: 0>} : vector<16xi32>
          %add3A_281 = arith.addi %broadcast_in_dim3A_279, %iota3A_280 : vector<16xi32>
          %mul3A_282 = arith.muli %convert_element_type3A_275, %broadcast_in_dim3A_267 : vector<16xi32>
          %add3A_283 = arith.addi %mul3A_282, %add3A_281 : vector<16xi32>
          %bitcast3A_284 = vector.bitcast %add3A_283 : vector<16xi32> to vector<16xi32>
          %lt3A_285 = arith.cmpi ult, %bitcast3A_284, %broadcast_in_dim3A_121 : vector<16xi32>
          %all_reduce_population_count3A_286 = tpu.all_reduce %lt3A_285 {dim = 0 : i64, kind = #tpu.reduction_kind<sum>} : vector<16xi1> -> vector<16xi32>
          %slice3A_287 = vector.extract_strided_slice %all_reduce_population_count3A_286 {offsets = [0], sizes = [1], strides = [1]} : vector<16xi32> to vector<1xi32>
          %squeeze3A_288 = vector.extract %slice3A_287[0] : i32 from vector<1xi32>
          %mul3A_289 = arith.constant 12 : i32
          %mul3A_290 = arith.muli %scan3A_154, %mul3A_289 : i32
          %add3A_291 = arith.constant 4 : i32
          %add3A_292 = arith.addi %mul3A_290, %add3A_291 : i32
          %mul3A_293 = arith.constant 16 : i32
          %mul3A_294 = arith.muli %add3A_292, %mul3A_293 : i32
          %get3A_295 = arith.index_cast %mul3A_294 : i32 to index
          %get3A_296 = tpu.vector_load %arg5[%get3A_295] {strides = array<i32>} : memref<1728xi32, #tpu.memory_space<vmem>>, vector<16xi32>,
          %mul3A_297 = arith.constant 16 : i32
          %mul3A_298 = arith.muli %add3A_292, %mul3A_297 : i32
          %get3A_299 = arith.index_cast %mul3A_298 : i32 to index
          %get3A_300 = tpu.vector_load %arg6[%get3A_299] {strides = array<i32>} : memref<1728xf32, #tpu.memory_space<vmem>>, vector<16xf32>,
          %broadcast_in_dim3A_301 = arith.constant 96 : i32
          %broadcast_in_dim3A_302 = vector.broadcast %broadcast_in_dim3A_301 : i32 to vector<16xi32>
          %broadcast_in_dim3A_303 = arith.constant 0.333333343 : f32
          %broadcast_in_dim3A_304 = vector.broadcast %broadcast_in_dim3A_303 : f32 to vector<16xf32>
          %broadcast_in_dim3A_305 = arith.constant 5 : i32
          %broadcast_in_dim3A_306 = vector.broadcast %broadcast_in_dim3A_305 : i32 to vector<16xi32>
          %shift_right_logical3A_307 = arith.shrui %get3A_296, %broadcast_in_dim3A_306 : vector<16xi32>
          %convert_element_type3A_308 = arith.sitofp %shift_right_logical3A_307 : vector<16xi32> to vector<16xf32>
          %mul3A_309 = arith.mulf %convert_element_type3A_308, %broadcast_in_dim3A_304 : vector<16xf32>
          %convert_element_type3A_310 = arith.fptosi %mul3A_309 : vector<16xf32> to vector<16xi32>
          %add3A_311 = arith.constant 64 : i32
          %add3A_312 = arith.addi %add3A_311, %mul3A_30 : i32
          %sub3A_313 = arith.subi %add3A_312, %add3A_40 : i32
          %broadcast_in_dim3A_314 = vector.broadcast %sub3A_313 : i32 to vector<16xi32>
          %iota3A_315 = tpu.iota {dimensions = array<i32: 0>} : vector<16xi32>
          %add3A_316 = arith.addi %broadcast_in_dim3A_314, %iota3A_315 : vector<16xi32>
          %mul3A_317 = arith.muli %convert_element_type3A_310, %broadcast_in_dim3A_302 : vector<16xi32>
          %add3A_318 = arith.addi %mul3A_317, %add3A_316 : vector<16xi32>
          %bitcast3A_319 = vector.bitcast %add3A_318 : vector<16xi32> to vector<16xi32>
          %lt3A_320 = arith.cmpi ult, %bitcast3A_319, %broadcast_in_dim3A_121 : vector<16xi32>
          %all_reduce_population_count3A_321 = tpu.all_reduce %lt3A_320 {dim = 0 : i64, kind = #tpu.reduction_kind<sum>} : vector<16xi1> -> vector<16xi32>
          %slice3A_322 = vector.extract_strided_slice %all_reduce_population_count3A_321 {offsets = [0], sizes = [1], strides = [1]} : vector<16xi32> to vector<1xi32>
          %squeeze3A_323 = vector.extract %slice3A_322[0] : i32 from vector<1xi32>
          %mul3A_324 = arith.constant 12 : i32
          %mul3A_325 = arith.muli %scan3A_154, %mul3A_324 : i32
          %add3A_326 = arith.constant 5 : i32
          %add3A_327 = arith.addi %mul3A_325, %add3A_326 : i32
          %mul3A_328 = arith.constant 16 : i32
          %mul3A_329 = arith.muli %add3A_327, %mul3A_328 : i32
          %get3A_330 = arith.index_cast %mul3A_329 : i32 to index
          %get3A_331 = tpu.vector_load %arg5[%get3A_330] {strides = array<i32>} : memref<1728xi32, #tpu.memory_space<vmem>>, vector<16xi32>,
          %mul3A_332 = arith.constant 16 : i32
          %mul3A_333 = arith.muli %add3A_327, %mul3A_332 : i32
          %get3A_334 = arith.index_cast %mul3A_333 : i32 to index
          %get3A_335 = tpu.vector_load %arg6[%get3A_334] {strides = array<i32>} : memref<1728xf32, #tpu.memory_space<vmem>>, vector<16xf32>,
          %broadcast_in_dim3A_336 = arith.constant 96 : i32
          %broadcast_in_dim3A_337 = vector.broadcast %broadcast_in_dim3A_336 : i32 to vector<16xi32>
          %broadcast_in_dim3A_338 = arith.constant 0.333333343 : f32
          %broadcast_in_dim3A_339 = vector.broadcast %broadcast_in_dim3A_338 : f32 to vector<16xf32>
          %broadcast_in_dim3A_340 = arith.constant 5 : i32
          %broadcast_in_dim3A_341 = vector.broadcast %broadcast_in_dim3A_340 : i32 to vector<16xi32>
          %shift_right_logical3A_342 = arith.shrui %get3A_331, %broadcast_in_dim3A_341 : vector<16xi32>
          %convert_element_type3A_343 = arith.sitofp %shift_right_logical3A_342 : vector<16xi32> to vector<16xf32>
          %mul3A_344 = arith.mulf %convert_element_type3A_343, %broadcast_in_dim3A_339 : vector<16xf32>
          %convert_element_type3A_345 = arith.fptosi %mul3A_344 : vector<16xf32> to vector<16xi32>
          %add3A_346 = arith.constant 80 : i32
          %add3A_347 = arith.addi %add3A_346, %mul3A_30 : i32
          %sub3A_348 = arith.subi %add3A_347, %add3A_40 : i32
          %broadcast_in_dim3A_349 = vector.broadcast %sub3A_348 : i32 to vector<16xi32>
          %iota3A_350 = tpu.iota {dimensions = array<i32: 0>} : vector<16xi32>
          %add3A_351 = arith.addi %broadcast_in_dim3A_349, %iota3A_350 : vector<16xi32>
          %mul3A_352 = arith.muli %convert_element_type3A_345, %broadcast_in_dim3A_337 : vector<16xi32>
          %add3A_353 = arith.addi %mul3A_352, %add3A_351 : vector<16xi32>
          %bitcast3A_354 = vector.bitcast %add3A_353 : vector<16xi32> to vector<16xi32>
          %lt3A_355 = arith.cmpi ult, %bitcast3A_354, %broadcast_in_dim3A_121 : vector<16xi32>
          %all_reduce_population_count3A_356 = tpu.all_reduce %lt3A_355 {dim = 0 : i64, kind = #tpu.reduction_kind<sum>} : vector<16xi1> -> vector<16xi32>
          %slice3A_357 = vector.extract_strided_slice %all_reduce_population_count3A_356 {offsets = [0], sizes = [1], strides = [1]} : vector<16xi32> to vector<1xi32>
          %squeeze3A_358 = vector.extract %slice3A_357[0] : i32 from vector<1xi32>
          %mul3A_359 = arith.constant 12 : i32
          %mul3A_360 = arith.muli %scan3A_154, %mul3A_359 : i32
          %add3A_361 = arith.constant 6 : i32
          %add3A_362 = arith.addi %mul3A_360, %add3A_361 : i32
          %mul3A_363 = arith.constant 16 : i32
          %mul3A_364 = arith.muli %add3A_362, %mul3A_363 : i32
          %get3A_365 = arith.index_cast %mul3A_364 : i32 to index
          %get3A_366 = tpu.vector_load %arg5[%get3A_365] {strides = array<i32>} : memref<1728xi32, #tpu.memory_space<vmem>>, vector<16xi32>,
          %mul3A_367 = arith.constant 16 : i32
          %mul3A_368 = arith.muli %add3A_362, %mul3A_367 : i32
          %get3A_369 = arith.index_cast %mul3A_368 : i32 to index
          %get3A_370 = tpu.vector_load %arg6[%get3A_369] {strides = array<i32>} : memref<1728xf32, #tpu.memory_space<vmem>>, vector<16xf32>,
          %broadcast_in_dim3A_371 = arith.constant 96 : i32
          %broadcast_in_dim3A_372 = vector.broadcast %broadcast_in_dim3A_371 : i32 to vector<16xi32>
          %broadcast_in_dim3A_373 = arith.constant 0.333333343 : f32
          %broadcast_in_dim3A_374 = vector.broadcast %broadcast_in_dim3A_373 : f32 to vector<16xf32>
          %broadcast_in_dim3A_375 = arith.constant 5 : i32
          %broadcast_in_dim3A_376 = vector.broadcast %broadcast_in_dim3A_375 : i32 to vector<16xi32>
          %shift_right_logical3A_377 = arith.shrui %get3A_366, %broadcast_in_dim3A_376 : vector<16xi32>
          %convert_element_type3A_378 = arith.sitofp %shift_right_logical3A_377 : vector<16xi32> to vector<16xf32>
          %mul3A_379 = arith.mulf %convert_element_type3A_378, %broadcast_in_dim3A_374 : vector<16xf32>
          %convert_element_type3A_380 = arith.fptosi %mul3A_379 : vector<16xf32> to vector<16xi32>
          %add3A_381 = arith.constant 0 : i32
          %add3A_382 = arith.addi %add3A_381, %mul3A_30 : i32
          %sub3A_383 = arith.subi %add3A_382, %add3A_40 : i32
          %broadcast_in_dim3A_384 = vector.broadcast %sub3A_383 : i32 to vector<16xi32>
          %iota3A_385 = tpu.iota {dimensions = array<i32: 0>} : vector<16xi32>
          %add3A_386 = arith.addi %broadcast_in_dim3A_384, %iota3A_385 : vector<16xi32>
          %mul3A_387 = arith.muli %convert_element_type3A_380, %broadcast_in_dim3A_372 : vector<16xi32>
          %add3A_388 = arith.addi %mul3A_387, %add3A_386 : vector<16xi32>
          %bitcast3A_389 = vector.bitcast %add3A_388 : vector<16xi32> to vector<16xi32>
          %lt3A_390 = arith.cmpi ult, %bitcast3A_389, %broadcast_in_dim3A_121 : vector<16xi32>
          %all_reduce_population_count3A_391 = tpu.all_reduce %lt3A_390 {dim = 0 : i64, kind = #tpu.reduction_kind<sum>} : vector<16xi1> -> vector<16xi32>
          %slice3A_392 = vector.extract_strided_slice %all_reduce_population_count3A_391 {offsets = [0], sizes = [1], strides = [1]} : vector<16xi32> to vector<1xi32>
          %squeeze3A_393 = vector.extract %slice3A_392[0] : i32 from vector<1xi32>
          %mul3A_394 = arith.constant 12 : i32
          %mul3A_395 = arith.muli %scan3A_154, %mul3A_394 : i32
          %add3A_396 = arith.constant 7 : i32
          %add3A_397 = arith.addi %mul3A_395, %add3A_396 : i32
          %mul3A_398 = arith.constant 16 : i32
          %mul3A_399 = arith.muli %add3A_397, %mul3A_398 : i32
          %get3A_400 = arith.index_cast %mul3A_399 : i32 to index
          %get3A_401 = tpu.vector_load %arg5[%get3A_400] {strides = array<i32>} : memref<1728xi32, #tpu.memory_space<vmem>>, vector<16xi32>,
          %mul3A_402 = arith.constant 16 : i32
          %mul3A_403 = arith.muli %add3A_397, %mul3A_402 : i32
          %get3A_404 = arith.index_cast %mul3A_403 : i32 to index
          %get3A_405 = tpu.vector_load %arg6[%get3A_404] {strides = array<i32>} : memref<1728xf32, #tpu.memory_space<vmem>>, vector<16xf32>,
          %broadcast_in_dim3A_406 = arith.constant 96 : i32
          %broadcast_in_dim3A_407 = vector.broadcast %broadcast_in_dim3A_406 : i32 to vector<16xi32>
          %broadcast_in_dim3A_408 = arith.constant 0.333333343 : f32
          %broadcast_in_dim3A_409 = vector.broadcast %broadcast_in_dim3A_408 : f32 to vector<16xf32>
          %broadcast_in_dim3A_410 = arith.constant 5 : i32
          %broadcast_in_dim3A_411 = vector.broadcast %broadcast_in_dim3A_410 : i32 to vector<16xi32>
          %shift_right_logical3A_412 = arith.shrui %get3A_401, %broadcast_in_dim3A_411 : vector<16xi32>
          %convert_element_type3A_413 = arith.sitofp %shift_right_logical3A_412 : vector<16xi32> to vector<16xf32>
          %mul3A_414 = arith.mulf %convert_element_type3A_413, %broadcast_in_dim3A_409 : vector<16xf32>
          %convert_element_type3A_415 = arith.fptosi %mul3A_414 : vector<16xf32> to vector<16xi32>
          %add3A_416 = arith.constant 16 : i32
          %add3A_417 = arith.addi %add3A_416, %mul3A_30 : i32
          %sub3A_418 = arith.subi %add3A_417, %add3A_40 : i32
          %broadcast_in_dim3A_419 = vector.broadcast %sub3A_418 : i32 to vector<16xi32>
          %iota3A_420 = tpu.iota {dimensions = array<i32: 0>} : vector<16xi32>
          %add3A_421 = arith.addi %broadcast_in_dim3A_419, %iota3A_420 : vector<16xi32>
          %mul3A_422 = arith.muli %convert_element_type3A_415, %broadcast_in_dim3A_407 : vector<16xi32>
          %add3A_423 = arith.addi %mul3A_422, %add3A_421 : vector<16xi32>
          %bitcast3A_424 = vector.bitcast %add3A_423 : vector<16xi32> to vector<16xi32>
          %lt3A_425 = arith.cmpi ult, %bitcast3A_424, %broadcast_in_dim3A_121 : vector<16xi32>
          %all_reduce_population_count3A_426 = tpu.all_reduce %lt3A_425 {dim = 0 : i64, kind = #tpu.reduction_kind<sum>} : vector<16xi1> -> vector<16xi32>
          %slice3A_427 = vector.extract_strided_slice %all_reduce_population_count3A_426 {offsets = [0], sizes = [1], strides = [1]} : vector<16xi32> to vector<1xi32>
          %squeeze3A_428 = vector.extract %slice3A_427[0] : i32 from vector<1xi32>
          %mul3A_429 = arith.constant 12 : i32
          %mul3A_430 = arith.muli %scan3A_154, %mul3A_429 : i32
          %add3A_431 = arith.constant 8 : i32
          %add3A_432 = arith.addi %mul3A_430, %add3A_431 : i32
          %mul3A_433 = arith.constant 16 : i32
          %mul3A_434 = arith.muli %add3A_432, %mul3A_433 : i32
          %get3A_435 = arith.index_cast %mul3A_434 : i32 to index
          %get3A_436 = tpu.vector_load %arg5[%get3A_435] {strides = array<i32>} : memref<1728xi32, #tpu.memory_space<vmem>>, vector<16xi32>,
          %mul3A_437 = arith.constant 16 : i32
          %mul3A_438 = arith.muli %add3A_432, %mul3A_437 : i32
          %get3A_439 = arith.index_cast %mul3A_438 : i32 to index
          %get3A_440 = tpu.vector_load %arg6[%get3A_439] {strides = array<i32>} : memref<1728xf32, #tpu.memory_space<vmem>>, vector<16xf32>,
          %broadcast_in_dim3A_441 = arith.constant 96 : i32
          %broadcast_in_dim3A_442 = vector.broadcast %broadcast_in_dim3A_441 : i32 to vector<16xi32>
          %broadcast_in_dim3A_443 = arith.constant 0.333333343 : f32
          %broadcast_in_dim3A_444 = vector.broadcast %broadcast_in_dim3A_443 : f32 to vector<16xf32>
          %broadcast_in_dim3A_445 = arith.constant 5 : i32
          %broadcast_in_dim3A_446 = vector.broadcast %broadcast_in_dim3A_445 : i32 to vector<16xi32>
          %shift_right_logical3A_447 = arith.shrui %get3A_436, %broadcast_in_dim3A_446 : vector<16xi32>
          %convert_element_type3A_448 = arith.sitofp %shift_right_logical3A_447 : vector<16xi32> to vector<16xf32>
          %mul3A_449 = arith.mulf %convert_element_type3A_448, %broadcast_in_dim3A_444 : vector<16xf32>
          %convert_element_type3A_450 = arith.fptosi %mul3A_449 : vector<16xf32> to vector<16xi32>
          %add3A_451 = arith.constant 32 : i32
          %add3A_452 = arith.addi %add3A_451, %mul3A_30 : i32
          %sub3A_453 = arith.subi %add3A_452, %add3A_40 : i32
          %broadcast_in_dim3A_454 = vector.broadcast %sub3A_453 : i32 to vector<16xi32>
          %iota3A_455 = tpu.iota {dimensions = array<i32: 0>} : vector<16xi32>
          %add3A_456 = arith.addi %broadcast_in_dim3A_454, %iota3A_455 : vector<16xi32>
          %mul3A_457 = arith.muli %convert_element_type3A_450, %broadcast_in_dim3A_442 : vector<16xi32>
          %add3A_458 = arith.addi %mul3A_457, %add3A_456 : vector<16xi32>
          %bitcast3A_459 = vector.bitcast %add3A_458 : vector<16xi32> to vector<16xi32>
          %lt3A_460 = arith.cmpi ult, %bitcast3A_459, %broadcast_in_dim3A_121 : vector<16xi32>
          %all_reduce_population_count3A_461 = tpu.all_reduce %lt3A_460 {dim = 0 : i64, kind = #tpu.reduction_kind<sum>} : vector<16xi1> -> vector<16xi32>
          %slice3A_462 = vector.extract_strided_slice %all_reduce_population_count3A_461 {offsets = [0], sizes = [1], strides = [1]} : vector<16xi32> to vector<1xi32>
          %squeeze3A_463 = vector.extract %slice3A_462[0] : i32 from vector<1xi32>
          %mul3A_464 = arith.constant 12 : i32
          %mul3A_465 = arith.muli %scan3A_154, %mul3A_464 : i32
          %add3A_466 = arith.constant 9 : i32
          %add3A_467 = arith.addi %mul3A_465, %add3A_466 : i32
          %mul3A_468 = arith.constant 16 : i32
          %mul3A_469 = arith.muli %add3A_467, %mul3A_468 : i32
          %get3A_470 = arith.index_cast %mul3A_469 : i32 to index
          %get3A_471 = tpu.vector_load %arg5[%get3A_470] {strides = array<i32>} : memref<1728xi32, #tpu.memory_space<vmem>>, vector<16xi32>,
          %mul3A_472 = arith.constant 16 : i32
          %mul3A_473 = arith.muli %add3A_467, %mul3A_472 : i32
          %get3A_474 = arith.index_cast %mul3A_473 : i32 to index
          %get3A_475 = tpu.vector_load %arg6[%get3A_474] {strides = array<i32>} : memref<1728xf32, #tpu.memory_space<vmem>>, vector<16xf32>,
          %broadcast_in_dim3A_476 = arith.constant 96 : i32
          %broadcast_in_dim3A_477 = vector.broadcast %broadcast_in_dim3A_476 : i32 to vector<16xi32>
          %broadcast_in_dim3A_478 = arith.constant 0.333333343 : f32
          %broadcast_in_dim3A_479 = vector.broadcast %broadcast_in_dim3A_478 : f32 to vector<16xf32>
          %broadcast_in_dim3A_480 = arith.constant 5 : i32
          %broadcast_in_dim3A_481 = vector.broadcast %broadcast_in_dim3A_480 : i32 to vector<16xi32>
          %shift_right_logical3A_482 = arith.shrui %get3A_471, %broadcast_in_dim3A_481 : vector<16xi32>
          %convert_element_type3A_483 = arith.sitofp %shift_right_logical3A_482 : vector<16xi32> to vector<16xf32>
          %mul3A_484 = arith.mulf %convert_element_type3A_483, %broadcast_in_dim3A_479 : vector<16xf32>
          %convert_element_type3A_485 = arith.fptosi %mul3A_484 : vector<16xf32> to vector<16xi32>
          %add3A_486 = arith.constant 48 : i32
          %add3A_487 = arith.addi %add3A_486, %mul3A_30 : i32
          %sub3A_488 = arith.subi %add3A_487, %add3A_40 : i32
          %broadcast_in_dim3A_489 = vector.broadcast %sub3A_488 : i32 to vector<16xi32>
          %iota3A_490 = tpu.iota {dimensions = array<i32: 0>} : vector<16xi32>
          %add3A_491 = arith.addi %broadcast_in_dim3A_489, %iota3A_490 : vector<16xi32>
          %mul3A_492 = arith.muli %convert_element_type3A_485, %broadcast_in_dim3A_477 : vector<16xi32>
          %add3A_493 = arith.addi %mul3A_492, %add3A_491 : vector<16xi32>
          %bitcast3A_494 = vector.bitcast %add3A_493 : vector<16xi32> to vector<16xi32>
          %lt3A_495 = arith.cmpi ult, %bitcast3A_494, %broadcast_in_dim3A_121 : vector<16xi32>
          %all_reduce_population_count3A_496 = tpu.all_reduce %lt3A_495 {dim = 0 : i64, kind = #tpu.reduction_kind<sum>} : vector<16xi1> -> vector<16xi32>
          %slice3A_497 = vector.extract_strided_slice %all_reduce_population_count3A_496 {offsets = [0], sizes = [1], strides = [1]} : vector<16xi32> to vector<1xi32>
          %squeeze3A_498 = vector.extract %slice3A_497[0] : i32 from vector<1xi32>
          %mul3A_499 = arith.constant 12 : i32
          %mul3A_500 = arith.muli %scan3A_154, %mul3A_499 : i32
          %add3A_501 = arith.constant 10 : i32
          %add3A_502 = arith.addi %mul3A_500, %add3A_501 : i32
          %mul3A_503 = arith.constant 16 : i32
          %mul3A_504 = arith.muli %add3A_502, %mul3A_503 : i32
          %get3A_505 = arith.index_cast %mul3A_504 : i32 to index
          %get3A_506 = tpu.vector_load %arg5[%get3A_505] {strides = array<i32>} : memref<1728xi32, #tpu.memory_space<vmem>>, vector<16xi32>,
          %mul3A_507 = arith.constant 16 : i32
          %mul3A_508 = arith.muli %add3A_502, %mul3A_507 : i32
          %get3A_509 = arith.index_cast %mul3A_508 : i32 to index
          %get3A_510 = tpu.vector_load %arg6[%get3A_509] {strides = array<i32>} : memref<1728xf32, #tpu.memory_space<vmem>>, vector<16xf32>,
          %broadcast_in_dim3A_511 = arith.constant 96 : i32
          %broadcast_in_dim3A_512 = vector.broadcast %broadcast_in_dim3A_511 : i32 to vector<16xi32>
          %broadcast_in_dim3A_513 = arith.constant 0.333333343 : f32
          %broadcast_in_dim3A_514 = vector.broadcast %broadcast_in_dim3A_513 : f32 to vector<16xf32>
          %broadcast_in_dim3A_515 = arith.constant 5 : i32
          %broadcast_in_dim3A_516 = vector.broadcast %broadcast_in_dim3A_515 : i32 to vector<16xi32>
          %shift_right_logical3A_517 = arith.shrui %get3A_506, %broadcast_in_dim3A_516 : vector<16xi32>
          %convert_element_type3A_518 = arith.sitofp %shift_right_logical3A_517 : vector<16xi32> to vector<16xf32>
          %mul3A_519 = arith.mulf %convert_element_type3A_518, %broadcast_in_dim3A_514 : vector<16xf32>
          %convert_element_type3A_520 = arith.fptosi %mul3A_519 : vector<16xf32> to vector<16xi32>
          %add3A_521 = arith.constant 64 : i32
          %add3A_522 = arith.addi %add3A_521, %mul3A_30 : i32
          %sub3A_523 = arith.subi %add3A_522, %add3A_40 : i32
          %broadcast_in_dim3A_524 = vector.broadcast %sub3A_523 : i32 to vector<16xi32>
          %iota3A_525 = tpu.iota {dimensions = array<i32: 0>} : vector<16xi32>
          %add3A_526 = arith.addi %broadcast_in_dim3A_524, %iota3A_525 : vector<16xi32>
          %mul3A_527 = arith.muli %convert_element_type3A_520, %broadcast_in_dim3A_512 : vector<16xi32>
          %add3A_528 = arith.addi %mul3A_527, %add3A_526 : vector<16xi32>
          %bitcast3A_529 = vector.bitcast %add3A_528 : vector<16xi32> to vector<16xi32>
          %lt3A_530 = arith.cmpi ult, %bitcast3A_529, %broadcast_in_dim3A_121 : vector<16xi32>
          %all_reduce_population_count3A_531 = tpu.all_reduce %lt3A_530 {dim = 0 : i64, kind = #tpu.reduction_kind<sum>} : vector<16xi1> -> vector<16xi32>
          %slice3A_532 = vector.extract_strided_slice %all_reduce_population_count3A_531 {offsets = [0], sizes = [1], strides = [1]} : vector<16xi32> to vector<1xi32>
          %squeeze3A_533 = vector.extract %slice3A_532[0] : i32 from vector<1xi32>
          %mul3A_534 = arith.constant 12 : i32
          %mul3A_535 = arith.muli %scan3A_154, %mul3A_534 : i32
          %add3A_536 = arith.constant 11 : i32
          %add3A_537 = arith.addi %mul3A_535, %add3A_536 : i32
          %mul3A_538 = arith.constant 16 : i32
          %mul3A_539 = arith.muli %add3A_537, %mul3A_538 : i32
          %get3A_540 = arith.index_cast %mul3A_539 : i32 to index
          %get3A_541 = tpu.vector_load %arg5[%get3A_540] {strides = array<i32>} : memref<1728xi32, #tpu.memory_space<vmem>>, vector<16xi32>,
          %mul3A_542 = arith.constant 16 : i32
          %mul3A_543 = arith.muli %add3A_537, %mul3A_542 : i32
          %get3A_544 = arith.index_cast %mul3A_543 : i32 to index
          %get3A_545 = tpu.vector_load %arg6[%get3A_544] {strides = array<i32>} : memref<1728xf32, #tpu.memory_space<vmem>>, vector<16xf32>,
          %broadcast_in_dim3A_546 = arith.constant 96 : i32
          %broadcast_in_dim3A_547 = vector.broadcast %broadcast_in_dim3A_546 : i32 to vector<16xi32>
          %broadcast_in_dim3A_548 = arith.constant 0.333333343 : f32
          %broadcast_in_dim3A_549 = vector.broadcast %broadcast_in_dim3A_548 : f32 to vector<16xf32>
          %broadcast_in_dim3A_550 = arith.constant 5 : i32
          %broadcast_in_dim3A_551 = vector.broadcast %broadcast_in_dim3A_550 : i32 to vector<16xi32>
          %shift_right_logical3A_552 = arith.shrui %get3A_541, %broadcast_in_dim3A_551 : vector<16xi32>
          %convert_element_type3A_553 = arith.sitofp %shift_right_logical3A_552 : vector<16xi32> to vector<16xf32>
          %mul3A_554 = arith.mulf %convert_element_type3A_553, %broadcast_in_dim3A_549 : vector<16xf32>
          %convert_element_type3A_555 = arith.fptosi %mul3A_554 : vector<16xf32> to vector<16xi32>
          %add3A_556 = arith.constant 80 : i32
          %add3A_557 = arith.addi %add3A_556, %mul3A_30 : i32
          %sub3A_558 = arith.subi %add3A_557, %add3A_40 : i32
          %broadcast_in_dim3A_559 = vector.broadcast %sub3A_558 : i32 to vector<16xi32>
          %iota3A_560 = tpu.iota {dimensions = array<i32: 0>} : vector<16xi32>
          %add3A_561 = arith.addi %broadcast_in_dim3A_559, %iota3A_560 : vector<16xi32>
          %mul3A_562 = arith.muli %convert_element_type3A_555, %broadcast_in_dim3A_547 : vector<16xi32>
          %add3A_563 = arith.addi %mul3A_562, %add3A_561 : vector<16xi32>
          %bitcast3A_564 = vector.bitcast %add3A_563 : vector<16xi32> to vector<16xi32>
          %lt3A_565 = arith.cmpi ult, %bitcast3A_564, %broadcast_in_dim3A_121 : vector<16xi32>
          %all_reduce_population_count3A_566 = tpu.all_reduce %lt3A_565 {dim = 0 : i64, kind = #tpu.reduction_kind<sum>} : vector<16xi1> -> vector<16xi32>
          %slice3A_567 = vector.extract_strided_slice %all_reduce_population_count3A_566 {offsets = [0], sizes = [1], strides = [1]} : vector<16xi32> to vector<1xi32>
          %squeeze3A_568 = vector.extract %slice3A_567[0] : i32 from vector<1xi32>
          %bitcast3A_569 = vector.bitcast %add3A_182 : vector<16xi32> to vector<16xi32>
          %lt3A_570 = arith.cmpi ult, %bitcast3A_569, %broadcast_in_dim3A_121 : vector<16xi32>
          %swap3A = arith.index_cast %scan3A_155 : i32 to index
          %swap3A_571 = tpu.vector_load %arg9[%swap3A] masked %lt3A_570 {strides = array<i32>} : memref<1920xi32, #tpu.memory_space<vmem>>, vector<16xi32>, vector<16xi1>
          tpu.vector_store %arg9[%swap3A], %add3A_182 masked %lt3A_570 {strides = array<i32>} : memref<1920xi32, #tpu.memory_space<vmem>>, vector<16xi32>, vector<16xi1>
          %swap3A_572 = arith.index_cast %scan3A_155 : i32 to index
          %swap3A_573 = tpu.vector_load %arg10[%swap3A_572] masked %lt3A_570 {strides = array<i32>} : memref<1920xf32, #tpu.memory_space<vmem>>, vector<16xf32>, vector<16xi1>
          tpu.vector_store %arg10[%swap3A_572], %get3A_166 masked %lt3A_570 {strides = array<i32>} : memref<1920xf32, #tpu.memory_space<vmem>>, vector<16xf32>, vector<16xi1>
          %add3A_574 = arith.addi %scan3A_155, %squeeze3A : i32
          %bitcast3A_575 = vector.bitcast %add3A_213 : vector<16xi32> to vector<16xi32>
          %lt3A_576 = arith.cmpi ult, %bitcast3A_575, %broadcast_in_dim3A_121 : vector<16xi32>
          %swap3A_577 = arith.index_cast %add3A_574 : i32 to index
          %swap3A_578 = tpu.vector_load %arg9[%swap3A_577] masked %lt3A_576 {strides = array<i32>} : memref<1920xi32, #tpu.memory_space<vmem>>, vector<16xi32>, vector<16xi1>
          tpu.vector_store %arg9[%swap3A_577], %add3A_213 masked %lt3A_576 {strides = array<i32>} : memref<1920xi32, #tpu.memory_space<vmem>>, vector<16xi32>, vector<16xi1>
          %swap3A_579 = arith.index_cast %add3A_574 : i32 to index
          %swap3A_580 = tpu.vector_load %arg10[%swap3A_579] masked %lt3A_576 {strides = array<i32>} : memref<1920xf32, #tpu.memory_space<vmem>>, vector<16xf32>, vector<16xi1>
          tpu.vector_store %arg10[%swap3A_579], %get3A_195 masked %lt3A_576 {strides = array<i32>} : memref<1920xf32, #tpu.memory_space<vmem>>, vector<16xf32>, vector<16xi1>
          %add3A_581 = arith.addi %add3A_574, %squeeze3A_218 : i32
          %bitcast3A_582 = vector.bitcast %add3A_248 : vector<16xi32> to vector<16xi32>
          %lt3A_583 = arith.cmpi ult, %bitcast3A_582, %broadcast_in_dim3A_121 : vector<16xi32>
          %swap3A_584 = arith.index_cast %add3A_581 : i32 to index
          %swap3A_585 = tpu.vector_load %arg9[%swap3A_584] masked %lt3A_583 {strides = array<i32>} : memref<1920xi32, #tpu.memory_space<vmem>>, vector<16xi32>, vector<16xi1>
          tpu.vector_store %arg9[%swap3A_584], %add3A_248 masked %lt3A_583 {strides = array<i32>} : memref<1920xi32, #tpu.memory_space<vmem>>, vector<16xi32>, vector<16xi1>
          %swap3A_586 = arith.index_cast %add3A_581 : i32 to index
          %swap3A_587 = tpu.vector_load %arg10[%swap3A_586] masked %lt3A_583 {strides = array<i32>} : memref<1920xf32, #tpu.memory_space<vmem>>, vector<16xf32>, vector<16xi1>
          tpu.vector_store %arg10[%swap3A_586], %get3A_230 masked %lt3A_583 {strides = array<i32>} : memref<1920xf32, #tpu.memory_space<vmem>>, vector<16xf32>, vector<16xi1>
          %add3A_588 = arith.addi %add3A_581, %squeeze3A_253 : i32
          %bitcast3A_589 = vector.bitcast %add3A_283 : vector<16xi32> to vector<16xi32>
          %lt3A_590 = arith.cmpi ult, %bitcast3A_589, %broadcast_in_dim3A_121 : vector<16xi32>
          %swap3A_591 = arith.index_cast %add3A_588 : i32 to index
          %swap3A_592 = tpu.vector_load %arg9[%swap3A_591] masked %lt3A_590 {strides = array<i32>} : memref<1920xi32, #tpu.memory_space<vmem>>, vector<16xi32>, vector<16xi1>
          tpu.vector_store %arg9[%swap3A_591], %add3A_283 masked %lt3A_590 {strides = array<i32>} : memref<1920xi32, #tpu.memory_space<vmem>>, vector<16xi32>, vector<16xi1>
          %swap3A_593 = arith.index_cast %add3A_588 : i32 to index
          %swap3A_594 = tpu.vector_load %arg10[%swap3A_593] masked %lt3A_590 {strides = array<i32>} : memref<1920xf32, #tpu.memory_space<vmem>>, vector<16xf32>, vector<16xi1>
          tpu.vector_store %arg10[%swap3A_593], %get3A_265 masked %lt3A_590 {strides = array<i32>} : memref<1920xf32, #tpu.memory_space<vmem>>, vector<16xf32>, vector<16xi1>
          %add3A_595 = arith.addi %add3A_588, %squeeze3A_288 : i32
          %bitcast3A_596 = vector.bitcast %add3A_318 : vector<16xi32> to vector<16xi32>
          %lt3A_597 = arith.cmpi ult, %bitcast3A_596, %broadcast_in_dim3A_121 : vector<16xi32>
          %swap3A_598 = arith.index_cast %add3A_595 : i32 to index
          %swap3A_599 = tpu.vector_load %arg9[%swap3A_598] masked %lt3A_597 {strides = array<i32>} : memref<1920xi32, #tpu.memory_space<vmem>>, vector<16xi32>, vector<16xi1>
          tpu.vector_store %arg9[%swap3A_598], %add3A_318 masked %lt3A_597 {strides = array<i32>} : memref<1920xi32, #tpu.memory_space<vmem>>, vector<16xi32>, vector<16xi1>
          %swap3A_600 = arith.index_cast %add3A_595 : i32 to index
          %swap3A_601 = tpu.vector_load %arg10[%swap3A_600] masked %lt3A_597 {strides = array<i32>} : memref<1920xf32, #tpu.memory_space<vmem>>, vector<16xf32>, vector<16xi1>
          tpu.vector_store %arg10[%swap3A_600], %get3A_300 masked %lt3A_597 {strides = array<i32>} : memref<1920xf32, #tpu.memory_space<vmem>>, vector<16xf32>, vector<16xi1>
          %add3A_602 = arith.addi %add3A_595, %squeeze3A_323 : i32
          %bitcast3A_603 = vector.bitcast %add3A_353 : vector<16xi32> to vector<16xi32>
          %lt3A_604 = arith.cmpi ult, %bitcast3A_603, %broadcast_in_dim3A_121 : vector<16xi32>
          %swap3A_605 = arith.index_cast %add3A_602 : i32 to index
          %swap3A_606 = tpu.vector_load %arg9[%swap3A_605] masked %lt3A_604 {strides = array<i32>} : memref<1920xi32, #tpu.memory_space<vmem>>, vector<16xi32>, vector<16xi1>
          tpu.vector_store %arg9[%swap3A_605], %add3A_353 masked %lt3A_604 {strides = array<i32>} : memref<1920xi32, #tpu.memory_space<vmem>>, vector<16xi32>, vector<16xi1>
          %swap3A_607 = arith.index_cast %add3A_602 : i32 to index
          %swap3A_608 = tpu.vector_load %arg10[%swap3A_607] masked %lt3A_604 {strides = array<i32>} : memref<1920xf32, #tpu.memory_space<vmem>>, vector<16xf32>, vector<16xi1>
          tpu.vector_store %arg10[%swap3A_607], %get3A_335 masked %lt3A_604 {strides = array<i32>} : memref<1920xf32, #tpu.memory_space<vmem>>, vector<16xf32>, vector<16xi1>
          %add3A_609 = arith.addi %add3A_602, %squeeze3A_358 : i32
          %bitcast3A_610 = vector.bitcast %add3A_388 : vector<16xi32> to vector<16xi32>
          %lt3A_611 = arith.cmpi ult, %bitcast3A_610, %broadcast_in_dim3A_121 : vector<16xi32>
          %swap3A_612 = arith.index_cast %add3A_609 : i32 to index
          %swap3A_613 = tpu.vector_load %arg9[%swap3A_612] masked %lt3A_611 {strides = array<i32>} : memref<1920xi32, #tpu.memory_space<vmem>>, vector<16xi32>, vector<16xi1>
          tpu.vector_store %arg9[%swap3A_612], %add3A_388 masked %lt3A_611 {strides = array<i32>} : memref<1920xi32, #tpu.memory_space<vmem>>, vector<16xi32>, vector<16xi1>
          %swap3A_614 = arith.index_cast %add3A_609 : i32 to index
          %swap3A_615 = tpu.vector_load %arg10[%swap3A_614] masked %lt3A_611 {strides = array<i32>} : memref<1920xf32, #tpu.memory_space<vmem>>, vector<16xf32>, vector<16xi1>
          tpu.vector_store %arg10[%swap3A_614], %get3A_370 masked %lt3A_611 {strides = array<i32>} : memref<1920xf32, #tpu.memory_space<vmem>>, vector<16xf32>, vector<16xi1>
          %add3A_616 = arith.addi %add3A_609, %squeeze3A_393 : i32
          %bitcast3A_617 = vector.bitcast %add3A_423 : vector<16xi32> to vector<16xi32>
          %lt3A_618 = arith.cmpi ult, %bitcast3A_617, %broadcast_in_dim3A_121 : vector<16xi32>
          %swap3A_619 = arith.index_cast %add3A_616 : i32 to index
          %swap3A_620 = tpu.vector_load %arg9[%swap3A_619] masked %lt3A_618 {strides = array<i32>} : memref<1920xi32, #tpu.memory_space<vmem>>, vector<16xi32>, vector<16xi1>
          tpu.vector_store %arg9[%swap3A_619], %add3A_423 masked %lt3A_618 {strides = array<i32>} : memref<1920xi32, #tpu.memory_space<vmem>>, vector<16xi32>, vector<16xi1>
          %swap3A_621 = arith.index_cast %add3A_616 : i32 to index
          %swap3A_622 = tpu.vector_load %arg10[%swap3A_621] masked %lt3A_618 {strides = array<i32>} : memref<1920xf32, #tpu.memory_space<vmem>>, vector<16xf32>, vector<16xi1>
          tpu.vector_store %arg10[%swap3A_621], %get3A_405 masked %lt3A_618 {strides = array<i32>} : memref<1920xf32, #tpu.memory_space<vmem>>, vector<16xf32>, vector<16xi1>
          %add3A_623 = arith.addi %add3A_616, %squeeze3A_428 : i32
          %bitcast3A_624 = vector.bitcast %add3A_458 : vector<16xi32> to vector<16xi32>
          %lt3A_625 = arith.cmpi ult, %bitcast3A_624, %broadcast_in_dim3A_121 : vector<16xi32>
          %swap3A_626 = arith.index_cast %add3A_623 : i32 to index
          %swap3A_627 = tpu.vector_load %arg9[%swap3A_626] masked %lt3A_625 {strides = array<i32>} : memref<1920xi32, #tpu.memory_space<vmem>>, vector<16xi32>, vector<16xi1>
          tpu.vector_store %arg9[%swap3A_626], %add3A_458 masked %lt3A_625 {strides = array<i32>} : memref<1920xi32, #tpu.memory_space<vmem>>, vector<16xi32>, vector<16xi1>
          %swap3A_628 = arith.index_cast %add3A_623 : i32 to index
          %swap3A_629 = tpu.vector_load %arg10[%swap3A_628] masked %lt3A_625 {strides = array<i32>} : memref<1920xf32, #tpu.memory_space<vmem>>, vector<16xf32>, vector<16xi1>
          tpu.vector_store %arg10[%swap3A_628], %get3A_440 masked %lt3A_625 {strides = array<i32>} : memref<1920xf32, #tpu.memory_space<vmem>>, vector<16xf32>, vector<16xi1>
          %add3A_630 = arith.addi %add3A_623, %squeeze3A_463 : i32
          %bitcast3A_631 = vector.bitcast %add3A_493 : vector<16xi32> to vector<16xi32>
          %lt3A_632 = arith.cmpi ult, %bitcast3A_631, %broadcast_in_dim3A_121 : vector<16xi32>
          %swap3A_633 = arith.index_cast %add3A_630 : i32 to index
          %swap3A_634 = tpu.vector_load %arg9[%swap3A_633] masked %lt3A_632 {strides = array<i32>} : memref<1920xi32, #tpu.memory_space<vmem>>, vector<16xi32>, vector<16xi1>
          tpu.vector_store %arg9[%swap3A_633], %add3A_493 masked %lt3A_632 {strides = array<i32>} : memref<1920xi32, #tpu.memory_space<vmem>>, vector<16xi32>, vector<16xi1>
          %swap3A_635 = arith.index_cast %add3A_630 : i32 to index
          %swap3A_636 = tpu.vector_load %arg10[%swap3A_635] masked %lt3A_632 {strides = array<i32>} : memref<1920xf32, #tpu.memory_space<vmem>>, vector<16xf32>, vector<16xi1>
          tpu.vector_store %arg10[%swap3A_635], %get3A_475 masked %lt3A_632 {strides = array<i32>} : memref<1920xf32, #tpu.memory_space<vmem>>, vector<16xf32>, vector<16xi1>
          %add3A_637 = arith.addi %add3A_630, %squeeze3A_498 : i32
          %bitcast3A_638 = vector.bitcast %add3A_528 : vector<16xi32> to vector<16xi32>
          %lt3A_639 = arith.cmpi ult, %bitcast3A_638, %broadcast_in_dim3A_121 : vector<16xi32>
          %swap3A_640 = arith.index_cast %add3A_637 : i32 to index
          %swap3A_641 = tpu.vector_load %arg9[%swap3A_640] masked %lt3A_639 {strides = array<i32>} : memref<1920xi32, #tpu.memory_space<vmem>>, vector<16xi32>, vector<16xi1>
          tpu.vector_store %arg9[%swap3A_640], %add3A_528 masked %lt3A_639 {strides = array<i32>} : memref<1920xi32, #tpu.memory_space<vmem>>, vector<16xi32>, vector<16xi1>
          %swap3A_642 = arith.index_cast %add3A_637 : i32 to index
          %swap3A_643 = tpu.vector_load %arg10[%swap3A_642] masked %lt3A_639 {strides = array<i32>} : memref<1920xf32, #tpu.memory_space<vmem>>, vector<16xf32>, vector<16xi1>
          tpu.vector_store %arg10[%swap3A_642], %get3A_510 masked %lt3A_639 {strides = array<i32>} : memref<1920xf32, #tpu.memory_space<vmem>>, vector<16xf32>, vector<16xi1>
          %add3A_644 = arith.addi %add3A_637, %squeeze3A_533 : i32
          %bitcast3A_645 = vector.bitcast %add3A_563 : vector<16xi32> to vector<16xi32>
          %lt3A_646 = arith.cmpi ult, %bitcast3A_645, %broadcast_in_dim3A_121 : vector<16xi32>
          %swap3A_647 = arith.index_cast %add3A_644 : i32 to index
          %swap3A_648 = tpu.vector_load %arg9[%swap3A_647] masked %lt3A_646 {strides = array<i32>} : memref<1920xi32, #tpu.memory_space<vmem>>, vector<16xi32>, vector<16xi1>
          tpu.vector_store %arg9[%swap3A_647], %add3A_563 masked %lt3A_646 {strides = array<i32>} : memref<1920xi32, #tpu.memory_space<vmem>>, vector<16xi32>, vector<16xi1>
          %swap3A_649 = arith.index_cast %add3A_644 : i32 to index
          %swap3A_650 = tpu.vector_load %arg10[%swap3A_649] masked %lt3A_646 {strides = array<i32>} : memref<1920xf32, #tpu.memory_space<vmem>>, vector<16xf32>, vector<16xi1>
          tpu.vector_store %arg10[%swap3A_649], %get3A_545 masked %lt3A_646 {strides = array<i32>} : memref<1920xf32, #tpu.memory_space<vmem>>, vector<16xf32>, vector<16xi1>
          %add3A_651 = arith.addi %add3A_644, %squeeze3A_568 : i32
          %ge3A = arith.constant 1728 : i32
          %ge3A_652 = arith.cmpi sge, %add3A_651, %ge3A : i32
          %convert_element_type3A_653 = arith.extui %ge3A_652 : i1 to i32
          %cond3A_654 = arith.constant 0 : i32
          %cond3A_655 = arith.cmpi ne, %convert_element_type3A_653, %cond3A_654 : i32
          %cond3A_656 = scf.if %cond3A_655 -> (i32) {
            %jit3A_657 = arith.constant 16 : i32
            %div3A_658 = arith.divsi %add3A_651, %jit3A_657 : i32
            %sign3A_659 = arith.constant 0 : i32
            %sign3A_660 = arith.cmpi sgt, %add3A_651, %sign3A_659 : i32
            %sign3A_661 = arith.extui %sign3A_660 : i1 to i32
            %sign3A_662 = arith.constant 0 : i32
            %sign3A_663 = arith.cmpi slt, %add3A_651, %sign3A_662 : i32
            %sign3A_664 = arith.extui %sign3A_663 : i1 to i32
            %sign3A_665 = arith.subi %sign3A_661, %sign3A_664 : i32
            %sign3A_666 = arith.constant 0 : i32
            %sign3A_667 = arith.cmpi sgt, %jit3A_657, %sign3A_666 : i32
            %sign3A_668 = arith.extui %sign3A_667 : i1 to i32
            %sign3A_669 = arith.constant 0 : i32
            %sign3A_670 = arith.cmpi slt, %jit3A_657, %sign3A_669 : i32
            %sign3A_671 = arith.extui %sign3A_670 : i1 to i32
            %sign3A_672 = arith.subi %sign3A_668, %sign3A_671 : i32
            %ne3A_673 = arith.cmpi ne, %sign3A_665, %sign3A_672 : i32
            %rem3A_674 = arith.remsi %add3A_651, %jit3A_657 : i32
            %ne3A_675 = arith.constant 0 : i32
            %ne3A_676 = arith.cmpi ne, %rem3A_674, %ne3A_675 : i32
            %and3A_677 = arith.andi %ne3A_673, %ne3A_676 : i1
            %sub3A_678 = arith.constant 1 : i32
            %sub3A_679 = arith.subi %div3A_658, %sub3A_678 : i32
            %select_n3A_680 = arith.select %and3A_677, %sub3A_679, %div3A_658 : i32
            %while3A_681 = arith.constant 0 : i32
            %while3A_682 = arith.constant 120 : i32
            %while3A_683 = arith.subi %while3A_682, %select_n3A_680 : i32
            %while3A_684 = arith.addi %select_n3A_680, %while3A_683 : i32
            %while3A_685 = arith.constant 1 : i32
            %while3A_686 = arith.divsi %while3A_683, %while3A_685 : i32
            %while3A_687 = arith.muli %while3A_686, %while3A_685 : i32
            %while3A_688 = arith.addi %select_n3A_680, %while3A_687 : i32
            %while3A_689 = arith.constant 1 : i32
            scf.for %while3A_692 = %select_n3A_680 to %while3A_688 step %while3A_689  : i32 {
              %mul3A_693 = arith.constant 16 : i32
              %mul3A_694 = arith.muli %while3A_692, %mul3A_693 : i32
              %get3A_695 = arith.index_cast %mul3A_694 : i32 to index
              %get3A_696 = tpu.vector_load %arg9[%get3A_695] {strides = array<i32>} : memref<1920xi32, #tpu.memory_space<vmem>>, vector<16xi32>,
              %mul3A_697 = arith.constant 16 : i32
              %mul3A_698 = arith.muli %while3A_692, %mul3A_697 : i32
              %broadcast_in_dim3A_699 = vector.broadcast %mul3A_698 : i32 to vector<16xi32>
              %iota3A_700 = tpu.iota {dimensions = array<i32: 0>} : vector<16xi32>
              %add3A_701 = arith.addi %broadcast_in_dim3A_699, %iota3A_700 : vector<16xi32>
              %broadcast_in_dim3A_702 = vector.broadcast %add3A_651 : i32 to vector<16xi32>
              %lt3A_703 = arith.cmpi slt, %add3A_701, %broadcast_in_dim3A_702 : vector<16xi32>
              %broadcast_in_dim3A_704 = arith.constant -1 : i32
              %broadcast_in_dim3A_705 = vector.broadcast %broadcast_in_dim3A_704 : i32 to vector<16xi32>
              %select_n3A_706 = arith.select %lt3A_703, %get3A_696, %broadcast_in_dim3A_705 : vector<16xi1>, vector<16xi32>
              %mul3A_707 = arith.constant 16 : i32
              %mul3A_708 = arith.muli %while3A_692, %mul3A_707 : i32
              %swap3A_709 = arith.index_cast %mul3A_708 : i32 to index
              %swap3A_710 = tpu.vector_load %arg9[%swap3A_709] {strides = array<i32>} : memref<1920xi32, #tpu.memory_space<vmem>>, vector<16xi32>,
              tpu.vector_store %arg9[%swap3A_709], %select_n3A_706 {strides = array<i32>} : memref<1920xi32, #tpu.memory_space<vmem>>, vector<16xi32>,
            }
            %while3A_690 = arith.constant 1 : i32
            scf.for %while3A_692 = %while3A_688 to %while3A_684 step %while3A_690  : i32 {
              %mul3A_693 = arith.constant 16 : i32
              %mul3A_694 = arith.muli %while3A_692, %mul3A_693 : i32
              %get3A_695 = arith.index_cast %mul3A_694 : i32 to index
              %get3A_696 = tpu.vector_load %arg9[%get3A_695] {strides = array<i32>} : memref<1920xi32, #tpu.memory_space<vmem>>, vector<16xi32>,
              %mul3A_697 = arith.constant 16 : i32
              %mul3A_698 = arith.muli %while3A_692, %mul3A_697 : i32
              %broadcast_in_dim3A_699 = vector.broadcast %mul3A_698 : i32 to vector<16xi32>
              %iota3A_700 = tpu.iota {dimensions = array<i32: 0>} : vector<16xi32>
              %add3A_701 = arith.addi %broadcast_in_dim3A_699, %iota3A_700 : vector<16xi32>
              %broadcast_in_dim3A_702 = vector.broadcast %add3A_651 : i32 to vector<16xi32>
              %lt3A_703 = arith.cmpi slt, %add3A_701, %broadcast_in_dim3A_702 : vector<16xi32>
              %broadcast_in_dim3A_704 = arith.constant -1 : i32
              %broadcast_in_dim3A_705 = vector.broadcast %broadcast_in_dim3A_704 : i32 to vector<16xi32>
              %select_n3A_706 = arith.select %lt3A_703, %get3A_696, %broadcast_in_dim3A_705 : vector<16xi1>, vector<16xi32>
              %mul3A_707 = arith.constant 16 : i32
              %mul3A_708 = arith.muli %while3A_692, %mul3A_707 : i32
              %swap3A_709 = arith.index_cast %mul3A_708 : i32 to index
              %swap3A_710 = tpu.vector_load %arg9[%swap3A_709] {strides = array<i32>} : memref<1920xi32, #tpu.memory_space<vmem>>, vector<16xi32>,
              tpu.vector_store %arg9[%swap3A_709], %select_n3A_706 {strides = array<i32>} : memref<1920xi32, #tpu.memory_space<vmem>>, vector<16xi32>,
            }
            "tpu.region"() ({
              %run_scoped3A = tpu.sem_alloc : memref<!tpu.dma_semaphore, #tpu.memory_space<semaphore_mem>>
              %dma_start3A_692 = arith.constant 0 : i32
              %dma_start3A_693 = tpu.memref_slice %arg12[%dma_start3A_692] : memref<1769472xf32, #tpu.memory_space<vmem_shared>> -> memref<1769472xf32, #tpu.memory_space<vmem_shared>>
              %dma_start3A_694 = arith.constant -1 : i32
              tpu.enqueue_indirect_dma source(%arg10 : memref<1920xf32, #tpu.memory_space<vmem>>) target(%dma_start3A_693 : memref<1769472xf32, #tpu.memory_space<vmem_shared>>) offsets(%arg9 : memref<1920xi32, #tpu.memory_space<vmem>>) offset_filter(%dma_start3A_694) semaphore(%run_scoped3A : memref<!tpu.dma_semaphore, #tpu.memory_space<semaphore_mem>>) {add = true}
              %dma_wait3A_695 = arith.constant 0 : i32
              %dma_wait3A_696 = tpu.memref_slice %arg12[%dma_wait3A_695] : memref<1769472xf32, #tpu.memory_space<vmem_shared>> -> memref<1769472xf32, #tpu.memory_space<vmem_shared>>
              tpu.wait_indirect_dma semaphore(%run_scoped3A : memref<!tpu.dma_semaphore, #tpu.memory_space<semaphore_mem>>) src(%arg10 : memref<1920xf32, #tpu.memory_space<vmem>>) dst(%dma_wait3A_696 : memref<1769472xf32, #tpu.memory_space<vmem_shared>>)
              tpu.yield
            }) : () -> ()
            %cond3A_691 = arith.constant 0 : i32
            scf.yield %cond3A_691 : i32
          } else {
            scf.yield %add3A_651 : i32
          }
          scf.yield %cond3A_656 : i32
        }
        %scan3A_127 = arith.constant 9 : i32
        %lt3A = arith.constant 127 : i32
        %lt3A_128 = arith.cmpi slt, %scan3A_111, %lt3A : i32
        %convert_element_type3A = arith.extui %lt3A_128 : i1 to i32
        %cond3A = arith.constant 0 : i32
        %cond3A_129 = arith.cmpi ne, %convert_element_type3A, %cond3A : i32
        scf.if %cond3A_129 {
          %mul3A_154 = arith.constant 2 : i32
          %mul3A_155 = arith.muli %mul3A_154, %scan3A_111 : i32
          %add3A_156 = arith.constant 2 : i32
          %add3A_157 = arith.addi %mul3A_155, %add3A_156 : i32
          %mul3A_158 = arith.constant 1728 : i32
          %mul3A_159 = arith.muli %add3A_157, %mul3A_158 : i32
          %add3A_160 = arith.addi %add3A, %mul3A_159 : i32
          %dma_start3A_161 = tpu.memref_slice %arg2[%add3A_160] : memref<14155776xi32, #tpu.memory_space<hbm>> -> memref<1728xi32, #tpu.memory_space<hbm>>
          %dma_start3A_162 = tpu.memref_slice %arg2[%add3A_160] : memref<14155776xi32, #tpu.memory_space<hbm>> -> memref<1728xi32, #tpu.memory_space<hbm>>
          tpu.enqueue_dma source(%dma_start3A_162 : memref<1728xi32, #tpu.memory_space<hbm>>) target(%arg5 : memref<1728xi32, #tpu.memory_space<vmem>>) target_semaphore(%arg13 : memref<!tpu.dma_semaphore, #tpu.memory_space<semaphore_mem>>)
          %dma_start3A_163 = tpu.memref_slice %arg3[%add3A_160] : memref<14155776xf32, #tpu.memory_space<hbm>> -> memref<1728xf32, #tpu.memory_space<hbm>>
          %dma_start3A_164 = tpu.memref_slice %arg3[%add3A_160] : memref<14155776xf32, #tpu.memory_space<hbm>> -> memref<1728xf32, #tpu.memory_space<hbm>>
          tpu.enqueue_dma source(%dma_start3A_164 : memref<1728xf32, #tpu.memory_space<hbm>>) target(%arg6 : memref<1728xf32, #tpu.memory_space<vmem>>) target_semaphore(%arg13 : memref<!tpu.dma_semaphore, #tpu.memory_space<semaphore_mem>>)
        } else {
        }
        %mul3A_130 = arith.constant 2 : i32
        %mul3A_131 = arith.muli %mul3A_130, %scan3A_111 : i32
        %add3A_132 = arith.constant 1 : i32
        %add3A_133 = arith.addi %mul3A_131, %add3A_132 : i32
        %mul3A_134 = arith.constant 1728 : i32
        %mul3A_135 = arith.muli %add3A_133, %mul3A_134 : i32
        %add3A_136 = arith.addi %add3A, %mul3A_135 : i32
        %dma_wait3A_137 = tpu.memref_slice %arg2[%add3A_136] : memref<14155776xi32, #tpu.memory_space<hbm>> -> memref<1728xi32, #tpu.memory_space<hbm>>
        %dma_wait3A_138 = tpu.memref_slice %arg2[%add3A_136] : memref<14155776xi32, #tpu.memory_space<hbm>> -> memref<1728xi32, #tpu.memory_space<hbm>>
        tpu.wait_dma2 semaphore(%arg14 : memref<!tpu.dma_semaphore, #tpu.memory_space<semaphore_mem>>) src(%dma_wait3A_138 : memref<1728xi32, #tpu.memory_space<hbm>>) dst(%arg7 : memref<1728xi32, #tpu.memory_space<vmem>>)
        %dma_wait3A_139 = tpu.memref_slice %arg3[%add3A_136] : memref<14155776xf32, #tpu.memory_space<hbm>> -> memref<1728xf32, #tpu.memory_space<hbm>>
        %dma_wait3A_140 = tpu.memref_slice %arg3[%add3A_136] : memref<14155776xf32, #tpu.memory_space<hbm>> -> memref<1728xf32, #tpu.memory_space<hbm>>
        tpu.wait_dma2 semaphore(%arg14 : memref<!tpu.dma_semaphore, #tpu.memory_space<semaphore_mem>>) src(%dma_wait3A_140 : memref<1728xf32, #tpu.memory_space<hbm>>) dst(%arg8 : memref<1728xf32, #tpu.memory_space<vmem>>)
        %broadcast_in_dim3A_141 = arith.constant 1769472 : i32
        %broadcast_in_dim3A_142 = vector.broadcast %broadcast_in_dim3A_141 : i32 to vector<16xi32>
        %scan3A_143 = arith.constant 0 : i32
        %scan3A_144 = arith.constant 9 : i32
        %scan3A_145 = arith.addi %scan3A_143, %scan3A_144 : i32
        %scan3A_146 = arith.constant 1 : i32
        %scan3A_147 = scf.for %scan3A_154 = %scan3A_143 to %scan3A_145 step %scan3A_146 iter_args(%scan3A_155 = %scan3A_126) -> (i32)  : i32 {
          %mul3A_156 = arith.constant 12 : i32
          %mul3A_157 = arith.muli %scan3A_154, %mul3A_156 : i32
          %add3A_158 = arith.constant 0 : i32
          %add3A_159 = arith.addi %mul3A_157, %add3A_158 : i32
          %mul3A_160 = arith.constant 16 : i32
          %mul3A_161 = arith.muli %add3A_159, %mul3A_160 : i32
          %get3A = arith.index_cast %mul3A_161 : i32 to index
          %get3A_162 = tpu.vector_load %arg7[%get3A] {strides = array<i32>} : memref<1728xi32, #tpu.memory_space<vmem>>, vector<16xi32>,
          %mul3A_163 = arith.constant 16 : i32
          %mul3A_164 = arith.muli %add3A_159, %mul3A_163 : i32
          %get3A_165 = arith.index_cast %mul3A_164 : i32 to index
          %get3A_166 = tpu.vector_load %arg8[%get3A_165] {strides = array<i32>} : memref<1728xf32, #tpu.memory_space<vmem>>, vector<16xf32>,
          %broadcast_in_dim3A_167 = arith.constant 96 : i32
          %broadcast_in_dim3A_168 = vector.broadcast %broadcast_in_dim3A_167 : i32 to vector<16xi32>
          %broadcast_in_dim3A_169 = arith.constant 0.333333343 : f32
          %broadcast_in_dim3A_170 = vector.broadcast %broadcast_in_dim3A_169 : f32 to vector<16xf32>
          %broadcast_in_dim3A_171 = arith.constant 5 : i32
          %broadcast_in_dim3A_172 = vector.broadcast %broadcast_in_dim3A_171 : i32 to vector<16xi32>
          %shift_right_logical3A = arith.shrui %get3A_162, %broadcast_in_dim3A_172 : vector<16xi32>
          %convert_element_type3A_173 = arith.sitofp %shift_right_logical3A : vector<16xi32> to vector<16xf32>
          %mul3A_174 = arith.mulf %convert_element_type3A_173, %broadcast_in_dim3A_170 : vector<16xf32>
          %convert_element_type3A_175 = arith.fptosi %mul3A_174 : vector<16xf32> to vector<16xi32>
          %add3A_176 = arith.constant 0 : i32
          %add3A_177 = arith.addi %add3A_176, %mul3A_30 : i32
          %sub3A_178 = arith.subi %add3A_177, %add3A_40 : i32
          %broadcast_in_dim3A_179 = vector.broadcast %sub3A_178 : i32 to vector<16xi32>
          %iota3A = tpu.iota {dimensions = array<i32: 0>} : vector<16xi32>
          %add3A_180 = arith.addi %broadcast_in_dim3A_179, %iota3A : vector<16xi32>
          %mul3A_181 = arith.muli %convert_element_type3A_175, %broadcast_in_dim3A_168 : vector<16xi32>
          %add3A_182 = arith.addi %mul3A_181, %add3A_180 : vector<16xi32>
          %bitcast3A = vector.bitcast %add3A_182 : vector<16xi32> to vector<16xi32>
          %lt3A_183 = arith.cmpi ult, %bitcast3A, %broadcast_in_dim3A_142 : vector<16xi32>
          %all_reduce_population_count3A = tpu.all_reduce %lt3A_183 {dim = 0 : i64, kind = #tpu.reduction_kind<sum>} : vector<16xi1> -> vector<16xi32>
          %slice3A = vector.extract_strided_slice %all_reduce_population_count3A {offsets = [0], sizes = [1], strides = [1]} : vector<16xi32> to vector<1xi32>
          %squeeze3A = vector.extract %slice3A[0] : i32 from vector<1xi32>
          %mul3A_184 = arith.constant 12 : i32
          %mul3A_185 = arith.muli %scan3A_154, %mul3A_184 : i32
          %add3A_186 = arith.constant 1 : i32
          %add3A_187 = arith.addi %mul3A_185, %add3A_186 : i32
          %mul3A_188 = arith.constant 16 : i32
          %mul3A_189 = arith.muli %add3A_187, %mul3A_188 : i32
          %get3A_190 = arith.index_cast %mul3A_189 : i32 to index
          %get3A_191 = tpu.vector_load %arg7[%get3A_190] {strides = array<i32>} : memref<1728xi32, #tpu.memory_space<vmem>>, vector<16xi32>,
          %mul3A_192 = arith.constant 16 : i32
          %mul3A_193 = arith.muli %add3A_187, %mul3A_192 : i32
          %get3A_194 = arith.index_cast %mul3A_193 : i32 to index
          %get3A_195 = tpu.vector_load %arg8[%get3A_194] {strides = array<i32>} : memref<1728xf32, #tpu.memory_space<vmem>>, vector<16xf32>,
          %broadcast_in_dim3A_196 = arith.constant 96 : i32
          %broadcast_in_dim3A_197 = vector.broadcast %broadcast_in_dim3A_196 : i32 to vector<16xi32>
          %broadcast_in_dim3A_198 = arith.constant 0.333333343 : f32
          %broadcast_in_dim3A_199 = vector.broadcast %broadcast_in_dim3A_198 : f32 to vector<16xf32>
          %broadcast_in_dim3A_200 = arith.constant 5 : i32
          %broadcast_in_dim3A_201 = vector.broadcast %broadcast_in_dim3A_200 : i32 to vector<16xi32>
          %shift_right_logical3A_202 = arith.shrui %get3A_191, %broadcast_in_dim3A_201 : vector<16xi32>
          %convert_element_type3A_203 = arith.sitofp %shift_right_logical3A_202 : vector<16xi32> to vector<16xf32>
          %mul3A_204 = arith.mulf %convert_element_type3A_203, %broadcast_in_dim3A_199 : vector<16xf32>
          %convert_element_type3A_205 = arith.fptosi %mul3A_204 : vector<16xf32> to vector<16xi32>
          %add3A_206 = arith.constant 16 : i32
          %add3A_207 = arith.addi %add3A_206, %mul3A_30 : i32
          %sub3A_208 = arith.subi %add3A_207, %add3A_40 : i32
          %broadcast_in_dim3A_209 = vector.broadcast %sub3A_208 : i32 to vector<16xi32>
          %iota3A_210 = tpu.iota {dimensions = array<i32: 0>} : vector<16xi32>
          %add3A_211 = arith.addi %broadcast_in_dim3A_209, %iota3A_210 : vector<16xi32>
          %mul3A_212 = arith.muli %convert_element_type3A_205, %broadcast_in_dim3A_197 : vector<16xi32>
          %add3A_213 = arith.addi %mul3A_212, %add3A_211 : vector<16xi32>
          %bitcast3A_214 = vector.bitcast %add3A_213 : vector<16xi32> to vector<16xi32>
          %lt3A_215 = arith.cmpi ult, %bitcast3A_214, %broadcast_in_dim3A_142 : vector<16xi32>
          %all_reduce_population_count3A_216 = tpu.all_reduce %lt3A_215 {dim = 0 : i64, kind = #tpu.reduction_kind<sum>} : vector<16xi1> -> vector<16xi32>
          %slice3A_217 = vector.extract_strided_slice %all_reduce_population_count3A_216 {offsets = [0], sizes = [1], strides = [1]} : vector<16xi32> to vector<1xi32>
          %squeeze3A_218 = vector.extract %slice3A_217[0] : i32 from vector<1xi32>
          %mul3A_219 = arith.constant 12 : i32
          %mul3A_220 = arith.muli %scan3A_154, %mul3A_219 : i32
          %add3A_221 = arith.constant 2 : i32
          %add3A_222 = arith.addi %mul3A_220, %add3A_221 : i32
          %mul3A_223 = arith.constant 16 : i32
          %mul3A_224 = arith.muli %add3A_222, %mul3A_223 : i32
          %get3A_225 = arith.index_cast %mul3A_224 : i32 to index
          %get3A_226 = tpu.vector_load %arg7[%get3A_225] {strides = array<i32>} : memref<1728xi32, #tpu.memory_space<vmem>>, vector<16xi32>,
          %mul3A_227 = arith.constant 16 : i32
          %mul3A_228 = arith.muli %add3A_222, %mul3A_227 : i32
          %get3A_229 = arith.index_cast %mul3A_228 : i32 to index
          %get3A_230 = tpu.vector_load %arg8[%get3A_229] {strides = array<i32>} : memref<1728xf32, #tpu.memory_space<vmem>>, vector<16xf32>,
          %broadcast_in_dim3A_231 = arith.constant 96 : i32
          %broadcast_in_dim3A_232 = vector.broadcast %broadcast_in_dim3A_231 : i32 to vector<16xi32>
          %broadcast_in_dim3A_233 = arith.constant 0.333333343 : f32
          %broadcast_in_dim3A_234 = vector.broadcast %broadcast_in_dim3A_233 : f32 to vector<16xf32>
          %broadcast_in_dim3A_235 = arith.constant 5 : i32
          %broadcast_in_dim3A_236 = vector.broadcast %broadcast_in_dim3A_235 : i32 to vector<16xi32>
          %shift_right_logical3A_237 = arith.shrui %get3A_226, %broadcast_in_dim3A_236 : vector<16xi32>
          %convert_element_type3A_238 = arith.sitofp %shift_right_logical3A_237 : vector<16xi32> to vector<16xf32>
          %mul3A_239 = arith.mulf %convert_element_type3A_238, %broadcast_in_dim3A_234 : vector<16xf32>
          %convert_element_type3A_240 = arith.fptosi %mul3A_239 : vector<16xf32> to vector<16xi32>
          %add3A_241 = arith.constant 32 : i32
          %add3A_242 = arith.addi %add3A_241, %mul3A_30 : i32
          %sub3A_243 = arith.subi %add3A_242, %add3A_40 : i32
          %broadcast_in_dim3A_244 = vector.broadcast %sub3A_243 : i32 to vector<16xi32>
          %iota3A_245 = tpu.iota {dimensions = array<i32: 0>} : vector<16xi32>
          %add3A_246 = arith.addi %broadcast_in_dim3A_244, %iota3A_245 : vector<16xi32>
          %mul3A_247 = arith.muli %convert_element_type3A_240, %broadcast_in_dim3A_232 : vector<16xi32>
          %add3A_248 = arith.addi %mul3A_247, %add3A_246 : vector<16xi32>
          %bitcast3A_249 = vector.bitcast %add3A_248 : vector<16xi32> to vector<16xi32>
          %lt3A_250 = arith.cmpi ult, %bitcast3A_249, %broadcast_in_dim3A_142 : vector<16xi32>
          %all_reduce_population_count3A_251 = tpu.all_reduce %lt3A_250 {dim = 0 : i64, kind = #tpu.reduction_kind<sum>} : vector<16xi1> -> vector<16xi32>
          %slice3A_252 = vector.extract_strided_slice %all_reduce_population_count3A_251 {offsets = [0], sizes = [1], strides = [1]} : vector<16xi32> to vector<1xi32>
          %squeeze3A_253 = vector.extract %slice3A_252[0] : i32 from vector<1xi32>
          %mul3A_254 = arith.constant 12 : i32
          %mul3A_255 = arith.muli %scan3A_154, %mul3A_254 : i32
          %add3A_256 = arith.constant 3 : i32
          %add3A_257 = arith.addi %mul3A_255, %add3A_256 : i32
          %mul3A_258 = arith.constant 16 : i32
          %mul3A_259 = arith.muli %add3A_257, %mul3A_258 : i32
          %get3A_260 = arith.index_cast %mul3A_259 : i32 to index
          %get3A_261 = tpu.vector_load %arg7[%get3A_260] {strides = array<i32>} : memref<1728xi32, #tpu.memory_space<vmem>>, vector<16xi32>,
          %mul3A_262 = arith.constant 16 : i32
          %mul3A_263 = arith.muli %add3A_257, %mul3A_262 : i32
          %get3A_264 = arith.index_cast %mul3A_263 : i32 to index
          %get3A_265 = tpu.vector_load %arg8[%get3A_264] {strides = array<i32>} : memref<1728xf32, #tpu.memory_space<vmem>>, vector<16xf32>,
          %broadcast_in_dim3A_266 = arith.constant 96 : i32
          %broadcast_in_dim3A_267 = vector.broadcast %broadcast_in_dim3A_266 : i32 to vector<16xi32>
          %broadcast_in_dim3A_268 = arith.constant 0.333333343 : f32
          %broadcast_in_dim3A_269 = vector.broadcast %broadcast_in_dim3A_268 : f32 to vector<16xf32>
          %broadcast_in_dim3A_270 = arith.constant 5 : i32
          %broadcast_in_dim3A_271 = vector.broadcast %broadcast_in_dim3A_270 : i32 to vector<16xi32>
          %shift_right_logical3A_272 = arith.shrui %get3A_261, %broadcast_in_dim3A_271 : vector<16xi32>
          %convert_element_type3A_273 = arith.sitofp %shift_right_logical3A_272 : vector<16xi32> to vector<16xf32>
          %mul3A_274 = arith.mulf %convert_element_type3A_273, %broadcast_in_dim3A_269 : vector<16xf32>
          %convert_element_type3A_275 = arith.fptosi %mul3A_274 : vector<16xf32> to vector<16xi32>
          %add3A_276 = arith.constant 48 : i32
          %add3A_277 = arith.addi %add3A_276, %mul3A_30 : i32
          %sub3A_278 = arith.subi %add3A_277, %add3A_40 : i32
          %broadcast_in_dim3A_279 = vector.broadcast %sub3A_278 : i32 to vector<16xi32>
          %iota3A_280 = tpu.iota {dimensions = array<i32: 0>} : vector<16xi32>
          %add3A_281 = arith.addi %broadcast_in_dim3A_279, %iota3A_280 : vector<16xi32>
          %mul3A_282 = arith.muli %convert_element_type3A_275, %broadcast_in_dim3A_267 : vector<16xi32>
          %add3A_283 = arith.addi %mul3A_282, %add3A_281 : vector<16xi32>
          %bitcast3A_284 = vector.bitcast %add3A_283 : vector<16xi32> to vector<16xi32>
          %lt3A_285 = arith.cmpi ult, %bitcast3A_284, %broadcast_in_dim3A_142 : vector<16xi32>
          %all_reduce_population_count3A_286 = tpu.all_reduce %lt3A_285 {dim = 0 : i64, kind = #tpu.reduction_kind<sum>} : vector<16xi1> -> vector<16xi32>
          %slice3A_287 = vector.extract_strided_slice %all_reduce_population_count3A_286 {offsets = [0], sizes = [1], strides = [1]} : vector<16xi32> to vector<1xi32>
          %squeeze3A_288 = vector.extract %slice3A_287[0] : i32 from vector<1xi32>
          %mul3A_289 = arith.constant 12 : i32
          %mul3A_290 = arith.muli %scan3A_154, %mul3A_289 : i32
          %add3A_291 = arith.constant 4 : i32
          %add3A_292 = arith.addi %mul3A_290, %add3A_291 : i32
          %mul3A_293 = arith.constant 16 : i32
          %mul3A_294 = arith.muli %add3A_292, %mul3A_293 : i32
          %get3A_295 = arith.index_cast %mul3A_294 : i32 to index
          %get3A_296 = tpu.vector_load %arg7[%get3A_295] {strides = array<i32>} : memref<1728xi32, #tpu.memory_space<vmem>>, vector<16xi32>,
          %mul3A_297 = arith.constant 16 : i32
          %mul3A_298 = arith.muli %add3A_292, %mul3A_297 : i32
          %get3A_299 = arith.index_cast %mul3A_298 : i32 to index
          %get3A_300 = tpu.vector_load %arg8[%get3A_299] {strides = array<i32>} : memref<1728xf32, #tpu.memory_space<vmem>>, vector<16xf32>,
          %broadcast_in_dim3A_301 = arith.constant 96 : i32
          %broadcast_in_dim3A_302 = vector.broadcast %broadcast_in_dim3A_301 : i32 to vector<16xi32>
          %broadcast_in_dim3A_303 = arith.constant 0.333333343 : f32
          %broadcast_in_dim3A_304 = vector.broadcast %broadcast_in_dim3A_303 : f32 to vector<16xf32>
          %broadcast_in_dim3A_305 = arith.constant 5 : i32
          %broadcast_in_dim3A_306 = vector.broadcast %broadcast_in_dim3A_305 : i32 to vector<16xi32>
          %shift_right_logical3A_307 = arith.shrui %get3A_296, %broadcast_in_dim3A_306 : vector<16xi32>
          %convert_element_type3A_308 = arith.sitofp %shift_right_logical3A_307 : vector<16xi32> to vector<16xf32>
          %mul3A_309 = arith.mulf %convert_element_type3A_308, %broadcast_in_dim3A_304 : vector<16xf32>
          %convert_element_type3A_310 = arith.fptosi %mul3A_309 : vector<16xf32> to vector<16xi32>
          %add3A_311 = arith.constant 64 : i32
          %add3A_312 = arith.addi %add3A_311, %mul3A_30 : i32
          %sub3A_313 = arith.subi %add3A_312, %add3A_40 : i32
          %broadcast_in_dim3A_314 = vector.broadcast %sub3A_313 : i32 to vector<16xi32>
          %iota3A_315 = tpu.iota {dimensions = array<i32: 0>} : vector<16xi32>
          %add3A_316 = arith.addi %broadcast_in_dim3A_314, %iota3A_315 : vector<16xi32>
          %mul3A_317 = arith.muli %convert_element_type3A_310, %broadcast_in_dim3A_302 : vector<16xi32>
          %add3A_318 = arith.addi %mul3A_317, %add3A_316 : vector<16xi32>
          %bitcast3A_319 = vector.bitcast %add3A_318 : vector<16xi32> to vector<16xi32>
          %lt3A_320 = arith.cmpi ult, %bitcast3A_319, %broadcast_in_dim3A_142 : vector<16xi32>
          %all_reduce_population_count3A_321 = tpu.all_reduce %lt3A_320 {dim = 0 : i64, kind = #tpu.reduction_kind<sum>} : vector<16xi1> -> vector<16xi32>
          %slice3A_322 = vector.extract_strided_slice %all_reduce_population_count3A_321 {offsets = [0], sizes = [1], strides = [1]} : vector<16xi32> to vector<1xi32>
          %squeeze3A_323 = vector.extract %slice3A_322[0] : i32 from vector<1xi32>
          %mul3A_324 = arith.constant 12 : i32
          %mul3A_325 = arith.muli %scan3A_154, %mul3A_324 : i32
          %add3A_326 = arith.constant 5 : i32
          %add3A_327 = arith.addi %mul3A_325, %add3A_326 : i32
          %mul3A_328 = arith.constant 16 : i32
          %mul3A_329 = arith.muli %add3A_327, %mul3A_328 : i32
          %get3A_330 = arith.index_cast %mul3A_329 : i32 to index
          %get3A_331 = tpu.vector_load %arg7[%get3A_330] {strides = array<i32>} : memref<1728xi32, #tpu.memory_space<vmem>>, vector<16xi32>,
          %mul3A_332 = arith.constant 16 : i32
          %mul3A_333 = arith.muli %add3A_327, %mul3A_332 : i32
          %get3A_334 = arith.index_cast %mul3A_333 : i32 to index
          %get3A_335 = tpu.vector_load %arg8[%get3A_334] {strides = array<i32>} : memref<1728xf32, #tpu.memory_space<vmem>>, vector<16xf32>,
          %broadcast_in_dim3A_336 = arith.constant 96 : i32
          %broadcast_in_dim3A_337 = vector.broadcast %broadcast_in_dim3A_336 : i32 to vector<16xi32>
          %broadcast_in_dim3A_338 = arith.constant 0.333333343 : f32
          %broadcast_in_dim3A_339 = vector.broadcast %broadcast_in_dim3A_338 : f32 to vector<16xf32>
          %broadcast_in_dim3A_340 = arith.constant 5 : i32
          %broadcast_in_dim3A_341 = vector.broadcast %broadcast_in_dim3A_340 : i32 to vector<16xi32>
          %shift_right_logical3A_342 = arith.shrui %get3A_331, %broadcast_in_dim3A_341 : vector<16xi32>
          %convert_element_type3A_343 = arith.sitofp %shift_right_logical3A_342 : vector<16xi32> to vector<16xf32>
          %mul3A_344 = arith.mulf %convert_element_type3A_343, %broadcast_in_dim3A_339 : vector<16xf32>
          %convert_element_type3A_345 = arith.fptosi %mul3A_344 : vector<16xf32> to vector<16xi32>
          %add3A_346 = arith.constant 80 : i32
          %add3A_347 = arith.addi %add3A_346, %mul3A_30 : i32
          %sub3A_348 = arith.subi %add3A_347, %add3A_40 : i32
          %broadcast_in_dim3A_349 = vector.broadcast %sub3A_348 : i32 to vector<16xi32>
          %iota3A_350 = tpu.iota {dimensions = array<i32: 0>} : vector<16xi32>
          %add3A_351 = arith.addi %broadcast_in_dim3A_349, %iota3A_350 : vector<16xi32>
          %mul3A_352 = arith.muli %convert_element_type3A_345, %broadcast_in_dim3A_337 : vector<16xi32>
          %add3A_353 = arith.addi %mul3A_352, %add3A_351 : vector<16xi32>
          %bitcast3A_354 = vector.bitcast %add3A_353 : vector<16xi32> to vector<16xi32>
          %lt3A_355 = arith.cmpi ult, %bitcast3A_354, %broadcast_in_dim3A_142 : vector<16xi32>
          %all_reduce_population_count3A_356 = tpu.all_reduce %lt3A_355 {dim = 0 : i64, kind = #tpu.reduction_kind<sum>} : vector<16xi1> -> vector<16xi32>
          %slice3A_357 = vector.extract_strided_slice %all_reduce_population_count3A_356 {offsets = [0], sizes = [1], strides = [1]} : vector<16xi32> to vector<1xi32>
          %squeeze3A_358 = vector.extract %slice3A_357[0] : i32 from vector<1xi32>
          %mul3A_359 = arith.constant 12 : i32
          %mul3A_360 = arith.muli %scan3A_154, %mul3A_359 : i32
          %add3A_361 = arith.constant 6 : i32
          %add3A_362 = arith.addi %mul3A_360, %add3A_361 : i32
          %mul3A_363 = arith.constant 16 : i32
          %mul3A_364 = arith.muli %add3A_362, %mul3A_363 : i32
          %get3A_365 = arith.index_cast %mul3A_364 : i32 to index
          %get3A_366 = tpu.vector_load %arg7[%get3A_365] {strides = array<i32>} : memref<1728xi32, #tpu.memory_space<vmem>>, vector<16xi32>,
          %mul3A_367 = arith.constant 16 : i32
          %mul3A_368 = arith.muli %add3A_362, %mul3A_367 : i32
          %get3A_369 = arith.index_cast %mul3A_368 : i32 to index
          %get3A_370 = tpu.vector_load %arg8[%get3A_369] {strides = array<i32>} : memref<1728xf32, #tpu.memory_space<vmem>>, vector<16xf32>,
          %broadcast_in_dim3A_371 = arith.constant 96 : i32
          %broadcast_in_dim3A_372 = vector.broadcast %broadcast_in_dim3A_371 : i32 to vector<16xi32>
          %broadcast_in_dim3A_373 = arith.constant 0.333333343 : f32
          %broadcast_in_dim3A_374 = vector.broadcast %broadcast_in_dim3A_373 : f32 to vector<16xf32>
          %broadcast_in_dim3A_375 = arith.constant 5 : i32
          %broadcast_in_dim3A_376 = vector.broadcast %broadcast_in_dim3A_375 : i32 to vector<16xi32>
          %shift_right_logical3A_377 = arith.shrui %get3A_366, %broadcast_in_dim3A_376 : vector<16xi32>
          %convert_element_type3A_378 = arith.sitofp %shift_right_logical3A_377 : vector<16xi32> to vector<16xf32>
          %mul3A_379 = arith.mulf %convert_element_type3A_378, %broadcast_in_dim3A_374 : vector<16xf32>
          %convert_element_type3A_380 = arith.fptosi %mul3A_379 : vector<16xf32> to vector<16xi32>
          %add3A_381 = arith.constant 0 : i32
          %add3A_382 = arith.addi %add3A_381, %mul3A_30 : i32
          %sub3A_383 = arith.subi %add3A_382, %add3A_40 : i32
          %broadcast_in_dim3A_384 = vector.broadcast %sub3A_383 : i32 to vector<16xi32>
          %iota3A_385 = tpu.iota {dimensions = array<i32: 0>} : vector<16xi32>
          %add3A_386 = arith.addi %broadcast_in_dim3A_384, %iota3A_385 : vector<16xi32>
          %mul3A_387 = arith.muli %convert_element_type3A_380, %broadcast_in_dim3A_372 : vector<16xi32>
          %add3A_388 = arith.addi %mul3A_387, %add3A_386 : vector<16xi32>
          %bitcast3A_389 = vector.bitcast %add3A_388 : vector<16xi32> to vector<16xi32>
          %lt3A_390 = arith.cmpi ult, %bitcast3A_389, %broadcast_in_dim3A_142 : vector<16xi32>
          %all_reduce_population_count3A_391 = tpu.all_reduce %lt3A_390 {dim = 0 : i64, kind = #tpu.reduction_kind<sum>} : vector<16xi1> -> vector<16xi32>
          %slice3A_392 = vector.extract_strided_slice %all_reduce_population_count3A_391 {offsets = [0], sizes = [1], strides = [1]} : vector<16xi32> to vector<1xi32>
          %squeeze3A_393 = vector.extract %slice3A_392[0] : i32 from vector<1xi32>
          %mul3A_394 = arith.constant 12 : i32
          %mul3A_395 = arith.muli %scan3A_154, %mul3A_394 : i32
          %add3A_396 = arith.constant 7 : i32
          %add3A_397 = arith.addi %mul3A_395, %add3A_396 : i32
          %mul3A_398 = arith.constant 16 : i32
          %mul3A_399 = arith.muli %add3A_397, %mul3A_398 : i32
          %get3A_400 = arith.index_cast %mul3A_399 : i32 to index
          %get3A_401 = tpu.vector_load %arg7[%get3A_400] {strides = array<i32>} : memref<1728xi32, #tpu.memory_space<vmem>>, vector<16xi32>,
          %mul3A_402 = arith.constant 16 : i32
          %mul3A_403 = arith.muli %add3A_397, %mul3A_402 : i32
          %get3A_404 = arith.index_cast %mul3A_403 : i32 to index
          %get3A_405 = tpu.vector_load %arg8[%get3A_404] {strides = array<i32>} : memref<1728xf32, #tpu.memory_space<vmem>>, vector<16xf32>,
          %broadcast_in_dim3A_406 = arith.constant 96 : i32
          %broadcast_in_dim3A_407 = vector.broadcast %broadcast_in_dim3A_406 : i32 to vector<16xi32>
          %broadcast_in_dim3A_408 = arith.constant 0.333333343 : f32
          %broadcast_in_dim3A_409 = vector.broadcast %broadcast_in_dim3A_408 : f32 to vector<16xf32>
          %broadcast_in_dim3A_410 = arith.constant 5 : i32
          %broadcast_in_dim3A_411 = vector.broadcast %broadcast_in_dim3A_410 : i32 to vector<16xi32>
          %shift_right_logical3A_412 = arith.shrui %get3A_401, %broadcast_in_dim3A_411 : vector<16xi32>
          %convert_element_type3A_413 = arith.sitofp %shift_right_logical3A_412 : vector<16xi32> to vector<16xf32>
          %mul3A_414 = arith.mulf %convert_element_type3A_413, %broadcast_in_dim3A_409 : vector<16xf32>
          %convert_element_type3A_415 = arith.fptosi %mul3A_414 : vector<16xf32> to vector<16xi32>
          %add3A_416 = arith.constant 16 : i32
          %add3A_417 = arith.addi %add3A_416, %mul3A_30 : i32
          %sub3A_418 = arith.subi %add3A_417, %add3A_40 : i32
          %broadcast_in_dim3A_419 = vector.broadcast %sub3A_418 : i32 to vector<16xi32>
          %iota3A_420 = tpu.iota {dimensions = array<i32: 0>} : vector<16xi32>
          %add3A_421 = arith.addi %broadcast_in_dim3A_419, %iota3A_420 : vector<16xi32>
          %mul3A_422 = arith.muli %convert_element_type3A_415, %broadcast_in_dim3A_407 : vector<16xi32>
          %add3A_423 = arith.addi %mul3A_422, %add3A_421 : vector<16xi32>
          %bitcast3A_424 = vector.bitcast %add3A_423 : vector<16xi32> to vector<16xi32>
          %lt3A_425 = arith.cmpi ult, %bitcast3A_424, %broadcast_in_dim3A_142 : vector<16xi32>
          %all_reduce_population_count3A_426 = tpu.all_reduce %lt3A_425 {dim = 0 : i64, kind = #tpu.reduction_kind<sum>} : vector<16xi1> -> vector<16xi32>
          %slice3A_427 = vector.extract_strided_slice %all_reduce_population_count3A_426 {offsets = [0], sizes = [1], strides = [1]} : vector<16xi32> to vector<1xi32>
          %squeeze3A_428 = vector.extract %slice3A_427[0] : i32 from vector<1xi32>
          %mul3A_429 = arith.constant 12 : i32
          %mul3A_430 = arith.muli %scan3A_154, %mul3A_429 : i32
          %add3A_431 = arith.constant 8 : i32
          %add3A_432 = arith.addi %mul3A_430, %add3A_431 : i32
          %mul3A_433 = arith.constant 16 : i32
          %mul3A_434 = arith.muli %add3A_432, %mul3A_433 : i32
          %get3A_435 = arith.index_cast %mul3A_434 : i32 to index
          %get3A_436 = tpu.vector_load %arg7[%get3A_435] {strides = array<i32>} : memref<1728xi32, #tpu.memory_space<vmem>>, vector<16xi32>,
          %mul3A_437 = arith.constant 16 : i32
          %mul3A_438 = arith.muli %add3A_432, %mul3A_437 : i32
          %get3A_439 = arith.index_cast %mul3A_438 : i32 to index
          %get3A_440 = tpu.vector_load %arg8[%get3A_439] {strides = array<i32>} : memref<1728xf32, #tpu.memory_space<vmem>>, vector<16xf32>,
          %broadcast_in_dim3A_441 = arith.constant 96 : i32
          %broadcast_in_dim3A_442 = vector.broadcast %broadcast_in_dim3A_441 : i32 to vector<16xi32>
          %broadcast_in_dim3A_443 = arith.constant 0.333333343 : f32
          %broadcast_in_dim3A_444 = vector.broadcast %broadcast_in_dim3A_443 : f32 to vector<16xf32>
          %broadcast_in_dim3A_445 = arith.constant 5 : i32
          %broadcast_in_dim3A_446 = vector.broadcast %broadcast_in_dim3A_445 : i32 to vector<16xi32>
          %shift_right_logical3A_447 = arith.shrui %get3A_436, %broadcast_in_dim3A_446 : vector<16xi32>
          %convert_element_type3A_448 = arith.sitofp %shift_right_logical3A_447 : vector<16xi32> to vector<16xf32>
          %mul3A_449 = arith.mulf %convert_element_type3A_448, %broadcast_in_dim3A_444 : vector<16xf32>
          %convert_element_type3A_450 = arith.fptosi %mul3A_449 : vector<16xf32> to vector<16xi32>
          %add3A_451 = arith.constant 32 : i32
          %add3A_452 = arith.addi %add3A_451, %mul3A_30 : i32
          %sub3A_453 = arith.subi %add3A_452, %add3A_40 : i32
          %broadcast_in_dim3A_454 = vector.broadcast %sub3A_453 : i32 to vector<16xi32>
          %iota3A_455 = tpu.iota {dimensions = array<i32: 0>} : vector<16xi32>
          %add3A_456 = arith.addi %broadcast_in_dim3A_454, %iota3A_455 : vector<16xi32>
          %mul3A_457 = arith.muli %convert_element_type3A_450, %broadcast_in_dim3A_442 : vector<16xi32>
          %add3A_458 = arith.addi %mul3A_457, %add3A_456 : vector<16xi32>
          %bitcast3A_459 = vector.bitcast %add3A_458 : vector<16xi32> to vector<16xi32>
          %lt3A_460 = arith.cmpi ult, %bitcast3A_459, %broadcast_in_dim3A_142 : vector<16xi32>
          %all_reduce_population_count3A_461 = tpu.all_reduce %lt3A_460 {dim = 0 : i64, kind = #tpu.reduction_kind<sum>} : vector<16xi1> -> vector<16xi32>
          %slice3A_462 = vector.extract_strided_slice %all_reduce_population_count3A_461 {offsets = [0], sizes = [1], strides = [1]} : vector<16xi32> to vector<1xi32>
          %squeeze3A_463 = vector.extract %slice3A_462[0] : i32 from vector<1xi32>
          %mul3A_464 = arith.constant 12 : i32
          %mul3A_465 = arith.muli %scan3A_154, %mul3A_464 : i32
          %add3A_466 = arith.constant 9 : i32
          %add3A_467 = arith.addi %mul3A_465, %add3A_466 : i32
          %mul3A_468 = arith.constant 16 : i32
          %mul3A_469 = arith.muli %add3A_467, %mul3A_468 : i32
          %get3A_470 = arith.index_cast %mul3A_469 : i32 to index
          %get3A_471 = tpu.vector_load %arg7[%get3A_470] {strides = array<i32>} : memref<1728xi32, #tpu.memory_space<vmem>>, vector<16xi32>,
          %mul3A_472 = arith.constant 16 : i32
          %mul3A_473 = arith.muli %add3A_467, %mul3A_472 : i32
          %get3A_474 = arith.index_cast %mul3A_473 : i32 to index
          %get3A_475 = tpu.vector_load %arg8[%get3A_474] {strides = array<i32>} : memref<1728xf32, #tpu.memory_space<vmem>>, vector<16xf32>,
          %broadcast_in_dim3A_476 = arith.constant 96 : i32
          %broadcast_in_dim3A_477 = vector.broadcast %broadcast_in_dim3A_476 : i32 to vector<16xi32>
          %broadcast_in_dim3A_478 = arith.constant 0.333333343 : f32
          %broadcast_in_dim3A_479 = vector.broadcast %broadcast_in_dim3A_478 : f32 to vector<16xf32>
          %broadcast_in_dim3A_480 = arith.constant 5 : i32
          %broadcast_in_dim3A_481 = vector.broadcast %broadcast_in_dim3A_480 : i32 to vector<16xi32>
          %shift_right_logical3A_482 = arith.shrui %get3A_471, %broadcast_in_dim3A_481 : vector<16xi32>
          %convert_element_type3A_483 = arith.sitofp %shift_right_logical3A_482 : vector<16xi32> to vector<16xf32>
          %mul3A_484 = arith.mulf %convert_element_type3A_483, %broadcast_in_dim3A_479 : vector<16xf32>
          %convert_element_type3A_485 = arith.fptosi %mul3A_484 : vector<16xf32> to vector<16xi32>
          %add3A_486 = arith.constant 48 : i32
          %add3A_487 = arith.addi %add3A_486, %mul3A_30 : i32
          %sub3A_488 = arith.subi %add3A_487, %add3A_40 : i32
          %broadcast_in_dim3A_489 = vector.broadcast %sub3A_488 : i32 to vector<16xi32>
          %iota3A_490 = tpu.iota {dimensions = array<i32: 0>} : vector<16xi32>
          %add3A_491 = arith.addi %broadcast_in_dim3A_489, %iota3A_490 : vector<16xi32>
          %mul3A_492 = arith.muli %convert_element_type3A_485, %broadcast_in_dim3A_477 : vector<16xi32>
          %add3A_493 = arith.addi %mul3A_492, %add3A_491 : vector<16xi32>
          %bitcast3A_494 = vector.bitcast %add3A_493 : vector<16xi32> to vector<16xi32>
          %lt3A_495 = arith.cmpi ult, %bitcast3A_494, %broadcast_in_dim3A_142 : vector<16xi32>
          %all_reduce_population_count3A_496 = tpu.all_reduce %lt3A_495 {dim = 0 : i64, kind = #tpu.reduction_kind<sum>} : vector<16xi1> -> vector<16xi32>
          %slice3A_497 = vector.extract_strided_slice %all_reduce_population_count3A_496 {offsets = [0], sizes = [1], strides = [1]} : vector<16xi32> to vector<1xi32>
          %squeeze3A_498 = vector.extract %slice3A_497[0] : i32 from vector<1xi32>
          %mul3A_499 = arith.constant 12 : i32
          %mul3A_500 = arith.muli %scan3A_154, %mul3A_499 : i32
          %add3A_501 = arith.constant 10 : i32
          %add3A_502 = arith.addi %mul3A_500, %add3A_501 : i32
          %mul3A_503 = arith.constant 16 : i32
          %mul3A_504 = arith.muli %add3A_502, %mul3A_503 : i32
          %get3A_505 = arith.index_cast %mul3A_504 : i32 to index
          %get3A_506 = tpu.vector_load %arg7[%get3A_505] {strides = array<i32>} : memref<1728xi32, #tpu.memory_space<vmem>>, vector<16xi32>,
          %mul3A_507 = arith.constant 16 : i32
          %mul3A_508 = arith.muli %add3A_502, %mul3A_507 : i32
          %get3A_509 = arith.index_cast %mul3A_508 : i32 to index
          %get3A_510 = tpu.vector_load %arg8[%get3A_509] {strides = array<i32>} : memref<1728xf32, #tpu.memory_space<vmem>>, vector<16xf32>,
          %broadcast_in_dim3A_511 = arith.constant 96 : i32
          %broadcast_in_dim3A_512 = vector.broadcast %broadcast_in_dim3A_511 : i32 to vector<16xi32>
          %broadcast_in_dim3A_513 = arith.constant 0.333333343 : f32
          %broadcast_in_dim3A_514 = vector.broadcast %broadcast_in_dim3A_513 : f32 to vector<16xf32>
          %broadcast_in_dim3A_515 = arith.constant 5 : i32
          %broadcast_in_dim3A_516 = vector.broadcast %broadcast_in_dim3A_515 : i32 to vector<16xi32>
          %shift_right_logical3A_517 = arith.shrui %get3A_506, %broadcast_in_dim3A_516 : vector<16xi32>
          %convert_element_type3A_518 = arith.sitofp %shift_right_logical3A_517 : vector<16xi32> to vector<16xf32>
          %mul3A_519 = arith.mulf %convert_element_type3A_518, %broadcast_in_dim3A_514 : vector<16xf32>
          %convert_element_type3A_520 = arith.fptosi %mul3A_519 : vector<16xf32> to vector<16xi32>
          %add3A_521 = arith.constant 64 : i32
          %add3A_522 = arith.addi %add3A_521, %mul3A_30 : i32
          %sub3A_523 = arith.subi %add3A_522, %add3A_40 : i32
          %broadcast_in_dim3A_524 = vector.broadcast %sub3A_523 : i32 to vector<16xi32>
          %iota3A_525 = tpu.iota {dimensions = array<i32: 0>} : vector<16xi32>
          %add3A_526 = arith.addi %broadcast_in_dim3A_524, %iota3A_525 : vector<16xi32>
          %mul3A_527 = arith.muli %convert_element_type3A_520, %broadcast_in_dim3A_512 : vector<16xi32>
          %add3A_528 = arith.addi %mul3A_527, %add3A_526 : vector<16xi32>
          %bitcast3A_529 = vector.bitcast %add3A_528 : vector<16xi32> to vector<16xi32>
          %lt3A_530 = arith.cmpi ult, %bitcast3A_529, %broadcast_in_dim3A_142 : vector<16xi32>
          %all_reduce_population_count3A_531 = tpu.all_reduce %lt3A_530 {dim = 0 : i64, kind = #tpu.reduction_kind<sum>} : vector<16xi1> -> vector<16xi32>
          %slice3A_532 = vector.extract_strided_slice %all_reduce_population_count3A_531 {offsets = [0], sizes = [1], strides = [1]} : vector<16xi32> to vector<1xi32>
          %squeeze3A_533 = vector.extract %slice3A_532[0] : i32 from vector<1xi32>
          %mul3A_534 = arith.constant 12 : i32
          %mul3A_535 = arith.muli %scan3A_154, %mul3A_534 : i32
          %add3A_536 = arith.constant 11 : i32
          %add3A_537 = arith.addi %mul3A_535, %add3A_536 : i32
          %mul3A_538 = arith.constant 16 : i32
          %mul3A_539 = arith.muli %add3A_537, %mul3A_538 : i32
          %get3A_540 = arith.index_cast %mul3A_539 : i32 to index
          %get3A_541 = tpu.vector_load %arg7[%get3A_540] {strides = array<i32>} : memref<1728xi32, #tpu.memory_space<vmem>>, vector<16xi32>,
          %mul3A_542 = arith.constant 16 : i32
          %mul3A_543 = arith.muli %add3A_537, %mul3A_542 : i32
          %get3A_544 = arith.index_cast %mul3A_543 : i32 to index
          %get3A_545 = tpu.vector_load %arg8[%get3A_544] {strides = array<i32>} : memref<1728xf32, #tpu.memory_space<vmem>>, vector<16xf32>,
          %broadcast_in_dim3A_546 = arith.constant 96 : i32
          %broadcast_in_dim3A_547 = vector.broadcast %broadcast_in_dim3A_546 : i32 to vector<16xi32>
          %broadcast_in_dim3A_548 = arith.constant 0.333333343 : f32
          %broadcast_in_dim3A_549 = vector.broadcast %broadcast_in_dim3A_548 : f32 to vector<16xf32>
          %broadcast_in_dim3A_550 = arith.constant 5 : i32
          %broadcast_in_dim3A_551 = vector.broadcast %broadcast_in_dim3A_550 : i32 to vector<16xi32>
          %shift_right_logical3A_552 = arith.shrui %get3A_541, %broadcast_in_dim3A_551 : vector<16xi32>
          %convert_element_type3A_553 = arith.sitofp %shift_right_logical3A_552 : vector<16xi32> to vector<16xf32>
          %mul3A_554 = arith.mulf %convert_element_type3A_553, %broadcast_in_dim3A_549 : vector<16xf32>
          %convert_element_type3A_555 = arith.fptosi %mul3A_554 : vector<16xf32> to vector<16xi32>
          %add3A_556 = arith.constant 80 : i32
          %add3A_557 = arith.addi %add3A_556, %mul3A_30 : i32
          %sub3A_558 = arith.subi %add3A_557, %add3A_40 : i32
          %broadcast_in_dim3A_559 = vector.broadcast %sub3A_558 : i32 to vector<16xi32>
          %iota3A_560 = tpu.iota {dimensions = array<i32: 0>} : vector<16xi32>
          %add3A_561 = arith.addi %broadcast_in_dim3A_559, %iota3A_560 : vector<16xi32>
          %mul3A_562 = arith.muli %convert_element_type3A_555, %broadcast_in_dim3A_547 : vector<16xi32>
          %add3A_563 = arith.addi %mul3A_562, %add3A_561 : vector<16xi32>
          %bitcast3A_564 = vector.bitcast %add3A_563 : vector<16xi32> to vector<16xi32>
          %lt3A_565 = arith.cmpi ult, %bitcast3A_564, %broadcast_in_dim3A_142 : vector<16xi32>
          %all_reduce_population_count3A_566 = tpu.all_reduce %lt3A_565 {dim = 0 : i64, kind = #tpu.reduction_kind<sum>} : vector<16xi1> -> vector<16xi32>
          %slice3A_567 = vector.extract_strided_slice %all_reduce_population_count3A_566 {offsets = [0], sizes = [1], strides = [1]} : vector<16xi32> to vector<1xi32>
          %squeeze3A_568 = vector.extract %slice3A_567[0] : i32 from vector<1xi32>
          %bitcast3A_569 = vector.bitcast %add3A_182 : vector<16xi32> to vector<16xi32>
          %lt3A_570 = arith.cmpi ult, %bitcast3A_569, %broadcast_in_dim3A_142 : vector<16xi32>
          %swap3A = arith.index_cast %scan3A_155 : i32 to index
          %swap3A_571 = tpu.vector_load %arg9[%swap3A] masked %lt3A_570 {strides = array<i32>} : memref<1920xi32, #tpu.memory_space<vmem>>, vector<16xi32>, vector<16xi1>
          tpu.vector_store %arg9[%swap3A], %add3A_182 masked %lt3A_570 {strides = array<i32>} : memref<1920xi32, #tpu.memory_space<vmem>>, vector<16xi32>, vector<16xi1>
          %swap3A_572 = arith.index_cast %scan3A_155 : i32 to index
          %swap3A_573 = tpu.vector_load %arg10[%swap3A_572] masked %lt3A_570 {strides = array<i32>} : memref<1920xf32, #tpu.memory_space<vmem>>, vector<16xf32>, vector<16xi1>
          tpu.vector_store %arg10[%swap3A_572], %get3A_166 masked %lt3A_570 {strides = array<i32>} : memref<1920xf32, #tpu.memory_space<vmem>>, vector<16xf32>, vector<16xi1>
          %add3A_574 = arith.addi %scan3A_155, %squeeze3A : i32
          %bitcast3A_575 = vector.bitcast %add3A_213 : vector<16xi32> to vector<16xi32>
          %lt3A_576 = arith.cmpi ult, %bitcast3A_575, %broadcast_in_dim3A_142 : vector<16xi32>
          %swap3A_577 = arith.index_cast %add3A_574 : i32 to index
          %swap3A_578 = tpu.vector_load %arg9[%swap3A_577] masked %lt3A_576 {strides = array<i32>} : memref<1920xi32, #tpu.memory_space<vmem>>, vector<16xi32>, vector<16xi1>
          tpu.vector_store %arg9[%swap3A_577], %add3A_213 masked %lt3A_576 {strides = array<i32>} : memref<1920xi32, #tpu.memory_space<vmem>>, vector<16xi32>, vector<16xi1>
          %swap3A_579 = arith.index_cast %add3A_574 : i32 to index
          %swap3A_580 = tpu.vector_load %arg10[%swap3A_579] masked %lt3A_576 {strides = array<i32>} : memref<1920xf32, #tpu.memory_space<vmem>>, vector<16xf32>, vector<16xi1>
          tpu.vector_store %arg10[%swap3A_579], %get3A_195 masked %lt3A_576 {strides = array<i32>} : memref<1920xf32, #tpu.memory_space<vmem>>, vector<16xf32>, vector<16xi1>
          %add3A_581 = arith.addi %add3A_574, %squeeze3A_218 : i32
          %bitcast3A_582 = vector.bitcast %add3A_248 : vector<16xi32> to vector<16xi32>
          %lt3A_583 = arith.cmpi ult, %bitcast3A_582, %broadcast_in_dim3A_142 : vector<16xi32>
          %swap3A_584 = arith.index_cast %add3A_581 : i32 to index
          %swap3A_585 = tpu.vector_load %arg9[%swap3A_584] masked %lt3A_583 {strides = array<i32>} : memref<1920xi32, #tpu.memory_space<vmem>>, vector<16xi32>, vector<16xi1>
          tpu.vector_store %arg9[%swap3A_584], %add3A_248 masked %lt3A_583 {strides = array<i32>} : memref<1920xi32, #tpu.memory_space<vmem>>, vector<16xi32>, vector<16xi1>
          %swap3A_586 = arith.index_cast %add3A_581 : i32 to index
          %swap3A_587 = tpu.vector_load %arg10[%swap3A_586] masked %lt3A_583 {strides = array<i32>} : memref<1920xf32, #tpu.memory_space<vmem>>, vector<16xf32>, vector<16xi1>
          tpu.vector_store %arg10[%swap3A_586], %get3A_230 masked %lt3A_583 {strides = array<i32>} : memref<1920xf32, #tpu.memory_space<vmem>>, vector<16xf32>, vector<16xi1>
          %add3A_588 = arith.addi %add3A_581, %squeeze3A_253 : i32
          %bitcast3A_589 = vector.bitcast %add3A_283 : vector<16xi32> to vector<16xi32>
          %lt3A_590 = arith.cmpi ult, %bitcast3A_589, %broadcast_in_dim3A_142 : vector<16xi32>
          %swap3A_591 = arith.index_cast %add3A_588 : i32 to index
          %swap3A_592 = tpu.vector_load %arg9[%swap3A_591] masked %lt3A_590 {strides = array<i32>} : memref<1920xi32, #tpu.memory_space<vmem>>, vector<16xi32>, vector<16xi1>
          tpu.vector_store %arg9[%swap3A_591], %add3A_283 masked %lt3A_590 {strides = array<i32>} : memref<1920xi32, #tpu.memory_space<vmem>>, vector<16xi32>, vector<16xi1>
          %swap3A_593 = arith.index_cast %add3A_588 : i32 to index
          %swap3A_594 = tpu.vector_load %arg10[%swap3A_593] masked %lt3A_590 {strides = array<i32>} : memref<1920xf32, #tpu.memory_space<vmem>>, vector<16xf32>, vector<16xi1>
          tpu.vector_store %arg10[%swap3A_593], %get3A_265 masked %lt3A_590 {strides = array<i32>} : memref<1920xf32, #tpu.memory_space<vmem>>, vector<16xf32>, vector<16xi1>
          %add3A_595 = arith.addi %add3A_588, %squeeze3A_288 : i32
          %bitcast3A_596 = vector.bitcast %add3A_318 : vector<16xi32> to vector<16xi32>
          %lt3A_597 = arith.cmpi ult, %bitcast3A_596, %broadcast_in_dim3A_142 : vector<16xi32>
          %swap3A_598 = arith.index_cast %add3A_595 : i32 to index
          %swap3A_599 = tpu.vector_load %arg9[%swap3A_598] masked %lt3A_597 {strides = array<i32>} : memref<1920xi32, #tpu.memory_space<vmem>>, vector<16xi32>, vector<16xi1>
          tpu.vector_store %arg9[%swap3A_598], %add3A_318 masked %lt3A_597 {strides = array<i32>} : memref<1920xi32, #tpu.memory_space<vmem>>, vector<16xi32>, vector<16xi1>
          %swap3A_600 = arith.index_cast %add3A_595 : i32 to index
          %swap3A_601 = tpu.vector_load %arg10[%swap3A_600] masked %lt3A_597 {strides = array<i32>} : memref<1920xf32, #tpu.memory_space<vmem>>, vector<16xf32>, vector<16xi1>
          tpu.vector_store %arg10[%swap3A_600], %get3A_300 masked %lt3A_597 {strides = array<i32>} : memref<1920xf32, #tpu.memory_space<vmem>>, vector<16xf32>, vector<16xi1>
          %add3A_602 = arith.addi %add3A_595, %squeeze3A_323 : i32
          %bitcast3A_603 = vector.bitcast %add3A_353 : vector<16xi32> to vector<16xi32>
          %lt3A_604 = arith.cmpi ult, %bitcast3A_603, %broadcast_in_dim3A_142 : vector<16xi32>
          %swap3A_605 = arith.index_cast %add3A_602 : i32 to index
          %swap3A_606 = tpu.vector_load %arg9[%swap3A_605] masked %lt3A_604 {strides = array<i32>} : memref<1920xi32, #tpu.memory_space<vmem>>, vector<16xi32>, vector<16xi1>
          tpu.vector_store %arg9[%swap3A_605], %add3A_353 masked %lt3A_604 {strides = array<i32>} : memref<1920xi32, #tpu.memory_space<vmem>>, vector<16xi32>, vector<16xi1>
          %swap3A_607 = arith.index_cast %add3A_602 : i32 to index
          %swap3A_608 = tpu.vector_load %arg10[%swap3A_607] masked %lt3A_604 {strides = array<i32>} : memref<1920xf32, #tpu.memory_space<vmem>>, vector<16xf32>, vector<16xi1>
          tpu.vector_store %arg10[%swap3A_607], %get3A_335 masked %lt3A_604 {strides = array<i32>} : memref<1920xf32, #tpu.memory_space<vmem>>, vector<16xf32>, vector<16xi1>
          %add3A_609 = arith.addi %add3A_602, %squeeze3A_358 : i32
          %bitcast3A_610 = vector.bitcast %add3A_388 : vector<16xi32> to vector<16xi32>
          %lt3A_611 = arith.cmpi ult, %bitcast3A_610, %broadcast_in_dim3A_142 : vector<16xi32>
          %swap3A_612 = arith.index_cast %add3A_609 : i32 to index
          %swap3A_613 = tpu.vector_load %arg9[%swap3A_612] masked %lt3A_611 {strides = array<i32>} : memref<1920xi32, #tpu.memory_space<vmem>>, vector<16xi32>, vector<16xi1>
          tpu.vector_store %arg9[%swap3A_612], %add3A_388 masked %lt3A_611 {strides = array<i32>} : memref<1920xi32, #tpu.memory_space<vmem>>, vector<16xi32>, vector<16xi1>
          %swap3A_614 = arith.index_cast %add3A_609 : i32 to index
          %swap3A_615 = tpu.vector_load %arg10[%swap3A_614] masked %lt3A_611 {strides = array<i32>} : memref<1920xf32, #tpu.memory_space<vmem>>, vector<16xf32>, vector<16xi1>
          tpu.vector_store %arg10[%swap3A_614], %get3A_370 masked %lt3A_611 {strides = array<i32>} : memref<1920xf32, #tpu.memory_space<vmem>>, vector<16xf32>, vector<16xi1>
          %add3A_616 = arith.addi %add3A_609, %squeeze3A_393 : i32
          %bitcast3A_617 = vector.bitcast %add3A_423 : vector<16xi32> to vector<16xi32>
          %lt3A_618 = arith.cmpi ult, %bitcast3A_617, %broadcast_in_dim3A_142 : vector<16xi32>
          %swap3A_619 = arith.index_cast %add3A_616 : i32 to index
          %swap3A_620 = tpu.vector_load %arg9[%swap3A_619] masked %lt3A_618 {strides = array<i32>} : memref<1920xi32, #tpu.memory_space<vmem>>, vector<16xi32>, vector<16xi1>
          tpu.vector_store %arg9[%swap3A_619], %add3A_423 masked %lt3A_618 {strides = array<i32>} : memref<1920xi32, #tpu.memory_space<vmem>>, vector<16xi32>, vector<16xi1>
          %swap3A_621 = arith.index_cast %add3A_616 : i32 to index
          %swap3A_622 = tpu.vector_load %arg10[%swap3A_621] masked %lt3A_618 {strides = array<i32>} : memref<1920xf32, #tpu.memory_space<vmem>>, vector<16xf32>, vector<16xi1>
          tpu.vector_store %arg10[%swap3A_621], %get3A_405 masked %lt3A_618 {strides = array<i32>} : memref<1920xf32, #tpu.memory_space<vmem>>, vector<16xf32>, vector<16xi1>
          %add3A_623 = arith.addi %add3A_616, %squeeze3A_428 : i32
          %bitcast3A_624 = vector.bitcast %add3A_458 : vector<16xi32> to vector<16xi32>
          %lt3A_625 = arith.cmpi ult, %bitcast3A_624, %broadcast_in_dim3A_142 : vector<16xi32>
          %swap3A_626 = arith.index_cast %add3A_623 : i32 to index
          %swap3A_627 = tpu.vector_load %arg9[%swap3A_626] masked %lt3A_625 {strides = array<i32>} : memref<1920xi32, #tpu.memory_space<vmem>>, vector<16xi32>, vector<16xi1>
          tpu.vector_store %arg9[%swap3A_626], %add3A_458 masked %lt3A_625 {strides = array<i32>} : memref<1920xi32, #tpu.memory_space<vmem>>, vector<16xi32>, vector<16xi1>
          %swap3A_628 = arith.index_cast %add3A_623 : i32 to index
          %swap3A_629 = tpu.vector_load %arg10[%swap3A_628] masked %lt3A_625 {strides = array<i32>} : memref<1920xf32, #tpu.memory_space<vmem>>, vector<16xf32>, vector<16xi1>
          tpu.vector_store %arg10[%swap3A_628], %get3A_440 masked %lt3A_625 {strides = array<i32>} : memref<1920xf32, #tpu.memory_space<vmem>>, vector<16xf32>, vector<16xi1>
          %add3A_630 = arith.addi %add3A_623, %squeeze3A_463 : i32
          %bitcast3A_631 = vector.bitcast %add3A_493 : vector<16xi32> to vector<16xi32>
          %lt3A_632 = arith.cmpi ult, %bitcast3A_631, %broadcast_in_dim3A_142 : vector<16xi32>
          %swap3A_633 = arith.index_cast %add3A_630 : i32 to index
          %swap3A_634 = tpu.vector_load %arg9[%swap3A_633] masked %lt3A_632 {strides = array<i32>} : memref<1920xi32, #tpu.memory_space<vmem>>, vector<16xi32>, vector<16xi1>
          tpu.vector_store %arg9[%swap3A_633], %add3A_493 masked %lt3A_632 {strides = array<i32>} : memref<1920xi32, #tpu.memory_space<vmem>>, vector<16xi32>, vector<16xi1>
          %swap3A_635 = arith.index_cast %add3A_630 : i32 to index
          %swap3A_636 = tpu.vector_load %arg10[%swap3A_635] masked %lt3A_632 {strides = array<i32>} : memref<1920xf32, #tpu.memory_space<vmem>>, vector<16xf32>, vector<16xi1>
          tpu.vector_store %arg10[%swap3A_635], %get3A_475 masked %lt3A_632 {strides = array<i32>} : memref<1920xf32, #tpu.memory_space<vmem>>, vector<16xf32>, vector<16xi1>
          %add3A_637 = arith.addi %add3A_630, %squeeze3A_498 : i32
          %bitcast3A_638 = vector.bitcast %add3A_528 : vector<16xi32> to vector<16xi32>
          %lt3A_639 = arith.cmpi ult, %bitcast3A_638, %broadcast_in_dim3A_142 : vector<16xi32>
          %swap3A_640 = arith.index_cast %add3A_637 : i32 to index
          %swap3A_641 = tpu.vector_load %arg9[%swap3A_640] masked %lt3A_639 {strides = array<i32>} : memref<1920xi32, #tpu.memory_space<vmem>>, vector<16xi32>, vector<16xi1>
          tpu.vector_store %arg9[%swap3A_640], %add3A_528 masked %lt3A_639 {strides = array<i32>} : memref<1920xi32, #tpu.memory_space<vmem>>, vector<16xi32>, vector<16xi1>
          %swap3A_642 = arith.index_cast %add3A_637 : i32 to index
          %swap3A_643 = tpu.vector_load %arg10[%swap3A_642] masked %lt3A_639 {strides = array<i32>} : memref<1920xf32, #tpu.memory_space<vmem>>, vector<16xf32>, vector<16xi1>
          tpu.vector_store %arg10[%swap3A_642], %get3A_510 masked %lt3A_639 {strides = array<i32>} : memref<1920xf32, #tpu.memory_space<vmem>>, vector<16xf32>, vector<16xi1>
          %add3A_644 = arith.addi %add3A_637, %squeeze3A_533 : i32
          %bitcast3A_645 = vector.bitcast %add3A_563 : vector<16xi32> to vector<16xi32>
          %lt3A_646 = arith.cmpi ult, %bitcast3A_645, %broadcast_in_dim3A_142 : vector<16xi32>
          %swap3A_647 = arith.index_cast %add3A_644 : i32 to index
          %swap3A_648 = tpu.vector_load %arg9[%swap3A_647] masked %lt3A_646 {strides = array<i32>} : memref<1920xi32, #tpu.memory_space<vmem>>, vector<16xi32>, vector<16xi1>
          tpu.vector_store %arg9[%swap3A_647], %add3A_563 masked %lt3A_646 {strides = array<i32>} : memref<1920xi32, #tpu.memory_space<vmem>>, vector<16xi32>, vector<16xi1>
          %swap3A_649 = arith.index_cast %add3A_644 : i32 to index
          %swap3A_650 = tpu.vector_load %arg10[%swap3A_649] masked %lt3A_646 {strides = array<i32>} : memref<1920xf32, #tpu.memory_space<vmem>>, vector<16xf32>, vector<16xi1>
          tpu.vector_store %arg10[%swap3A_649], %get3A_545 masked %lt3A_646 {strides = array<i32>} : memref<1920xf32, #tpu.memory_space<vmem>>, vector<16xf32>, vector<16xi1>
          %add3A_651 = arith.addi %add3A_644, %squeeze3A_568 : i32
          %ge3A = arith.constant 1728 : i32
          %ge3A_652 = arith.cmpi sge, %add3A_651, %ge3A : i32
          %convert_element_type3A_653 = arith.extui %ge3A_652 : i1 to i32
          %cond3A_654 = arith.constant 0 : i32
          %cond3A_655 = arith.cmpi ne, %convert_element_type3A_653, %cond3A_654 : i32
          %cond3A_656 = scf.if %cond3A_655 -> (i32) {
            %jit3A_657 = arith.constant 16 : i32
            %div3A_658 = arith.divsi %add3A_651, %jit3A_657 : i32
            %sign3A_659 = arith.constant 0 : i32
            %sign3A_660 = arith.cmpi sgt, %add3A_651, %sign3A_659 : i32
            %sign3A_661 = arith.extui %sign3A_660 : i1 to i32
            %sign3A_662 = arith.constant 0 : i32
            %sign3A_663 = arith.cmpi slt, %add3A_651, %sign3A_662 : i32
            %sign3A_664 = arith.extui %sign3A_663 : i1 to i32
            %sign3A_665 = arith.subi %sign3A_661, %sign3A_664 : i32
            %sign3A_666 = arith.constant 0 : i32
            %sign3A_667 = arith.cmpi sgt, %jit3A_657, %sign3A_666 : i32
            %sign3A_668 = arith.extui %sign3A_667 : i1 to i32
            %sign3A_669 = arith.constant 0 : i32
            %sign3A_670 = arith.cmpi slt, %jit3A_657, %sign3A_669 : i32
            %sign3A_671 = arith.extui %sign3A_670 : i1 to i32
            %sign3A_672 = arith.subi %sign3A_668, %sign3A_671 : i32
            %ne3A_673 = arith.cmpi ne, %sign3A_665, %sign3A_672 : i32
            %rem3A_674 = arith.remsi %add3A_651, %jit3A_657 : i32
            %ne3A_675 = arith.constant 0 : i32
            %ne3A_676 = arith.cmpi ne, %rem3A_674, %ne3A_675 : i32
            %and3A_677 = arith.andi %ne3A_673, %ne3A_676 : i1
            %sub3A_678 = arith.constant 1 : i32
            %sub3A_679 = arith.subi %div3A_658, %sub3A_678 : i32
            %select_n3A_680 = arith.select %and3A_677, %sub3A_679, %div3A_658 : i32
            %while3A_681 = arith.constant 0 : i32
            %while3A_682 = arith.constant 120 : i32
            %while3A_683 = arith.subi %while3A_682, %select_n3A_680 : i32
            %while3A_684 = arith.addi %select_n3A_680, %while3A_683 : i32
            %while3A_685 = arith.constant 1 : i32
            %while3A_686 = arith.divsi %while3A_683, %while3A_685 : i32
            %while3A_687 = arith.muli %while3A_686, %while3A_685 : i32
            %while3A_688 = arith.addi %select_n3A_680, %while3A_687 : i32
            %while3A_689 = arith.constant 1 : i32
            scf.for %while3A_692 = %select_n3A_680 to %while3A_688 step %while3A_689  : i32 {
              %mul3A_693 = arith.constant 16 : i32
              %mul3A_694 = arith.muli %while3A_692, %mul3A_693 : i32
              %get3A_695 = arith.index_cast %mul3A_694 : i32 to index
              %get3A_696 = tpu.vector_load %arg9[%get3A_695] {strides = array<i32>} : memref<1920xi32, #tpu.memory_space<vmem>>, vector<16xi32>,
              %mul3A_697 = arith.constant 16 : i32
              %mul3A_698 = arith.muli %while3A_692, %mul3A_697 : i32
              %broadcast_in_dim3A_699 = vector.broadcast %mul3A_698 : i32 to vector<16xi32>
              %iota3A_700 = tpu.iota {dimensions = array<i32: 0>} : vector<16xi32>
              %add3A_701 = arith.addi %broadcast_in_dim3A_699, %iota3A_700 : vector<16xi32>
              %broadcast_in_dim3A_702 = vector.broadcast %add3A_651 : i32 to vector<16xi32>
              %lt3A_703 = arith.cmpi slt, %add3A_701, %broadcast_in_dim3A_702 : vector<16xi32>
              %broadcast_in_dim3A_704 = arith.constant -1 : i32
              %broadcast_in_dim3A_705 = vector.broadcast %broadcast_in_dim3A_704 : i32 to vector<16xi32>
              %select_n3A_706 = arith.select %lt3A_703, %get3A_696, %broadcast_in_dim3A_705 : vector<16xi1>, vector<16xi32>
              %mul3A_707 = arith.constant 16 : i32
              %mul3A_708 = arith.muli %while3A_692, %mul3A_707 : i32
              %swap3A_709 = arith.index_cast %mul3A_708 : i32 to index
              %swap3A_710 = tpu.vector_load %arg9[%swap3A_709] {strides = array<i32>} : memref<1920xi32, #tpu.memory_space<vmem>>, vector<16xi32>,
              tpu.vector_store %arg9[%swap3A_709], %select_n3A_706 {strides = array<i32>} : memref<1920xi32, #tpu.memory_space<vmem>>, vector<16xi32>,
            }
            %while3A_690 = arith.constant 1 : i32
            scf.for %while3A_692 = %while3A_688 to %while3A_684 step %while3A_690  : i32 {
              %mul3A_693 = arith.constant 16 : i32
              %mul3A_694 = arith.muli %while3A_692, %mul3A_693 : i32
              %get3A_695 = arith.index_cast %mul3A_694 : i32 to index
              %get3A_696 = tpu.vector_load %arg9[%get3A_695] {strides = array<i32>} : memref<1920xi32, #tpu.memory_space<vmem>>, vector<16xi32>,
              %mul3A_697 = arith.constant 16 : i32
              %mul3A_698 = arith.muli %while3A_692, %mul3A_697 : i32
              %broadcast_in_dim3A_699 = vector.broadcast %mul3A_698 : i32 to vector<16xi32>
              %iota3A_700 = tpu.iota {dimensions = array<i32: 0>} : vector<16xi32>
              %add3A_701 = arith.addi %broadcast_in_dim3A_699, %iota3A_700 : vector<16xi32>
              %broadcast_in_dim3A_702 = vector.broadcast %add3A_651 : i32 to vector<16xi32>
              %lt3A_703 = arith.cmpi slt, %add3A_701, %broadcast_in_dim3A_702 : vector<16xi32>
              %broadcast_in_dim3A_704 = arith.constant -1 : i32
              %broadcast_in_dim3A_705 = vector.broadcast %broadcast_in_dim3A_704 : i32 to vector<16xi32>
              %select_n3A_706 = arith.select %lt3A_703, %get3A_696, %broadcast_in_dim3A_705 : vector<16xi1>, vector<16xi32>
              %mul3A_707 = arith.constant 16 : i32
              %mul3A_708 = arith.muli %while3A_692, %mul3A_707 : i32
              %swap3A_709 = arith.index_cast %mul3A_708 : i32 to index
              %swap3A_710 = tpu.vector_load %arg9[%swap3A_709] {strides = array<i32>} : memref<1920xi32, #tpu.memory_space<vmem>>, vector<16xi32>,
              tpu.vector_store %arg9[%swap3A_709], %select_n3A_706 {strides = array<i32>} : memref<1920xi32, #tpu.memory_space<vmem>>, vector<16xi32>,
            }
            "tpu.region"() ({
              %run_scoped3A = tpu.sem_alloc : memref<!tpu.dma_semaphore, #tpu.memory_space<semaphore_mem>>
              %dma_start3A_692 = arith.constant 0 : i32
              %dma_start3A_693 = tpu.memref_slice %arg12[%dma_start3A_692] : memref<1769472xf32, #tpu.memory_space<vmem_shared>> -> memref<1769472xf32, #tpu.memory_space<vmem_shared>>
              %dma_start3A_694 = arith.constant -1 : i32
              tpu.enqueue_indirect_dma source(%arg10 : memref<1920xf32, #tpu.memory_space<vmem>>) target(%dma_start3A_693 : memref<1769472xf32, #tpu.memory_space<vmem_shared>>) offsets(%arg9 : memref<1920xi32, #tpu.memory_space<vmem>>) offset_filter(%dma_start3A_694) semaphore(%run_scoped3A : memref<!tpu.dma_semaphore, #tpu.memory_space<semaphore_mem>>) {add = true}
              %dma_wait3A_695 = arith.constant 0 : i32
              %dma_wait3A_696 = tpu.memref_slice %arg12[%dma_wait3A_695] : memref<1769472xf32, #tpu.memory_space<vmem_shared>> -> memref<1769472xf32, #tpu.memory_space<vmem_shared>>
              tpu.wait_indirect_dma semaphore(%run_scoped3A : memref<!tpu.dma_semaphore, #tpu.memory_space<semaphore_mem>>) src(%arg10 : memref<1920xf32, #tpu.memory_space<vmem>>) dst(%dma_wait3A_696 : memref<1769472xf32, #tpu.memory_space<vmem_shared>>)
              tpu.yield
            }) : () -> ()
            %cond3A_691 = arith.constant 0 : i32
            scf.yield %cond3A_691 : i32
          } else {
            scf.yield %add3A_651 : i32
          }
          scf.yield %cond3A_656 : i32
        }
        %scan3A_148 = arith.constant 9 : i32
        %lt3A_149 = arith.constant 127 : i32
        %lt3A_150 = arith.cmpi slt, %scan3A_111, %lt3A_149 : i32
        %convert_element_type3A_151 = arith.extui %lt3A_150 : i1 to i32
        %cond3A_152 = arith.constant 0 : i32
        %cond3A_153 = arith.cmpi ne, %convert_element_type3A_151, %cond3A_152 : i32
        scf.if %cond3A_153 {
          %mul3A_154 = arith.constant 2 : i32
          %mul3A_155 = arith.muli %mul3A_154, %scan3A_111 : i32
          %add3A_156 = arith.constant 3 : i32
          %add3A_157 = arith.addi %mul3A_155, %add3A_156 : i32
          %mul3A_158 = arith.constant 1728 : i32
          %mul3A_159 = arith.muli %add3A_157, %mul3A_158 : i32
          %add3A_160 = arith.addi %add3A, %mul3A_159 : i32
          %dma_start3A_161 = tpu.memref_slice %arg2[%add3A_160] : memref<14155776xi32, #tpu.memory_space<hbm>> -> memref<1728xi32, #tpu.memory_space<hbm>>
          %dma_start3A_162 = tpu.memref_slice %arg2[%add3A_160] : memref<14155776xi32, #tpu.memory_space<hbm>> -> memref<1728xi32, #tpu.memory_space<hbm>>
          tpu.enqueue_dma source(%dma_start3A_162 : memref<1728xi32, #tpu.memory_space<hbm>>) target(%arg7 : memref<1728xi32, #tpu.memory_space<vmem>>) target_semaphore(%arg14 : memref<!tpu.dma_semaphore, #tpu.memory_space<semaphore_mem>>)
          %dma_start3A_163 = tpu.memref_slice %arg3[%add3A_160] : memref<14155776xf32, #tpu.memory_space<hbm>> -> memref<1728xf32, #tpu.memory_space<hbm>>
          %dma_start3A_164 = tpu.memref_slice %arg3[%add3A_160] : memref<14155776xf32, #tpu.memory_space<hbm>> -> memref<1728xf32, #tpu.memory_space<hbm>>
          tpu.enqueue_dma source(%dma_start3A_164 : memref<1728xf32, #tpu.memory_space<hbm>>) target(%arg8 : memref<1728xf32, #tpu.memory_space<vmem>>) target_semaphore(%arg14 : memref<!tpu.dma_semaphore, #tpu.memory_space<semaphore_mem>>)
        } else {
        }
        scf.yield %scan3A_147 : i32
      }
      %scan3A_70 = arith.constant 128 : i32
      %jit3A_71 = arith.constant 16 : i32
      %div3A_72 = arith.divsi %scan3A_69, %jit3A_71 : i32
      %sign3A_73 = arith.constant 0 : i32
      %sign3A_74 = arith.cmpi sgt, %scan3A_69, %sign3A_73 : i32
      %sign3A_75 = arith.extui %sign3A_74 : i1 to i32
      %sign3A_76 = arith.constant 0 : i32
      %sign3A_77 = arith.cmpi slt, %scan3A_69, %sign3A_76 : i32
      %sign3A_78 = arith.extui %sign3A_77 : i1 to i32
      %sign3A_79 = arith.subi %sign3A_75, %sign3A_78 : i32
      %sign3A_80 = arith.constant 0 : i32
      %sign3A_81 = arith.cmpi sgt, %jit3A_71, %sign3A_80 : i32
      %sign3A_82 = arith.extui %sign3A_81 : i1 to i32
      %sign3A_83 = arith.constant 0 : i32
      %sign3A_84 = arith.cmpi slt, %jit3A_71, %sign3A_83 : i32
      %sign3A_85 = arith.extui %sign3A_84 : i1 to i32
      %sign3A_86 = arith.subi %sign3A_82, %sign3A_85 : i32
      %ne3A_87 = arith.cmpi ne, %sign3A_79, %sign3A_86 : i32
      %rem3A_88 = arith.remsi %scan3A_69, %jit3A_71 : i32
      %ne3A_89 = arith.constant 0 : i32
      %ne3A_90 = arith.cmpi ne, %rem3A_88, %ne3A_89 : i32
      %and3A_91 = arith.andi %ne3A_87, %ne3A_90 : i1
      %sub3A_92 = arith.constant 1 : i32
      %sub3A_93 = arith.subi %div3A_72, %sub3A_92 : i32
      %select_n3A_94 = arith.select %and3A_91, %sub3A_93, %div3A_72 : i32
      %while3A = arith.constant 0 : i32
      %while3A_95 = arith.constant 120 : i32
      %while3A_96 = arith.subi %while3A_95, %select_n3A_94 : i32
      %while3A_97 = arith.addi %select_n3A_94, %while3A_96 : i32
      %while3A_98 = arith.constant 1 : i32
      %while3A_99 = arith.divsi %while3A_96, %while3A_98 : i32
      %while3A_100 = arith.muli %while3A_99, %while3A_98 : i32
      %while3A_101 = arith.addi %select_n3A_94, %while3A_100 : i32
      %while3A_102 = arith.constant 1 : i32
      scf.for %while3A_111 = %select_n3A_94 to %while3A_101 step %while3A_102  : i32 {
        %mul3A_112 = arith.constant 16 : i32
        %mul3A_113 = arith.muli %while3A_111, %mul3A_112 : i32
        %get3A = arith.index_cast %mul3A_113 : i32 to index
        %get3A_114 = tpu.vector_load %arg9[%get3A] {strides = array<i32>} : memref<1920xi32, #tpu.memory_space<vmem>>, vector<16xi32>,
        %mul3A_115 = arith.constant 16 : i32
        %mul3A_116 = arith.muli %while3A_111, %mul3A_115 : i32
        %broadcast_in_dim3A = vector.broadcast %mul3A_116 : i32 to vector<16xi32>
        %iota3A = tpu.iota {dimensions = array<i32: 0>} : vector<16xi32>
        %add3A_117 = arith.addi %broadcast_in_dim3A, %iota3A : vector<16xi32>
        %broadcast_in_dim3A_118 = vector.broadcast %scan3A_69 : i32 to vector<16xi32>
        %lt3A = arith.cmpi slt, %add3A_117, %broadcast_in_dim3A_118 : vector<16xi32>
        %broadcast_in_dim3A_119 = arith.constant -1 : i32
        %broadcast_in_dim3A_120 = vector.broadcast %broadcast_in_dim3A_119 : i32 to vector<16xi32>
        %select_n3A_121 = arith.select %lt3A, %get3A_114, %broadcast_in_dim3A_120 : vector<16xi1>, vector<16xi32>
        %mul3A_122 = arith.constant 16 : i32
        %mul3A_123 = arith.muli %while3A_111, %mul3A_122 : i32
        %swap3A = arith.index_cast %mul3A_123 : i32 to index
        %swap3A_124 = tpu.vector_load %arg9[%swap3A] {strides = array<i32>} : memref<1920xi32, #tpu.memory_space<vmem>>, vector<16xi32>,
        tpu.vector_store %arg9[%swap3A], %select_n3A_121 {strides = array<i32>} : memref<1920xi32, #tpu.memory_space<vmem>>, vector<16xi32>,
      }
      %while3A_103 = arith.constant 1 : i32
      scf.for %while3A_111 = %while3A_101 to %while3A_97 step %while3A_103  : i32 {
        %mul3A_112 = arith.constant 16 : i32
        %mul3A_113 = arith.muli %while3A_111, %mul3A_112 : i32
        %get3A = arith.index_cast %mul3A_113 : i32 to index
        %get3A_114 = tpu.vector_load %arg9[%get3A] {strides = array<i32>} : memref<1920xi32, #tpu.memory_space<vmem>>, vector<16xi32>,
        %mul3A_115 = arith.constant 16 : i32
        %mul3A_116 = arith.muli %while3A_111, %mul3A_115 : i32
        %broadcast_in_dim3A = vector.broadcast %mul3A_116 : i32 to vector<16xi32>
        %iota3A = tpu.iota {dimensions = array<i32: 0>} : vector<16xi32>
        %add3A_117 = arith.addi %broadcast_in_dim3A, %iota3A : vector<16xi32>
        %broadcast_in_dim3A_118 = vector.broadcast %scan3A_69 : i32 to vector<16xi32>
        %lt3A = arith.cmpi slt, %add3A_117, %broadcast_in_dim3A_118 : vector<16xi32>
        %broadcast_in_dim3A_119 = arith.constant -1 : i32
        %broadcast_in_dim3A_120 = vector.broadcast %broadcast_in_dim3A_119 : i32 to vector<16xi32>
        %select_n3A_121 = arith.select %lt3A, %get3A_114, %broadcast_in_dim3A_120 : vector<16xi1>, vector<16xi32>
        %mul3A_122 = arith.constant 16 : i32
        %mul3A_123 = arith.muli %while3A_111, %mul3A_122 : i32
        %swap3A = arith.index_cast %mul3A_123 : i32 to index
        %swap3A_124 = tpu.vector_load %arg9[%swap3A] {strides = array<i32>} : memref<1920xi32, #tpu.memory_space<vmem>>, vector<16xi32>,
        tpu.vector_store %arg9[%swap3A], %select_n3A_121 {strides = array<i32>} : memref<1920xi32, #tpu.memory_space<vmem>>, vector<16xi32>,
      }
      "tpu.region"() ({
        %run_scoped3A = tpu.sem_alloc : memref<!tpu.dma_semaphore, #tpu.memory_space<semaphore_mem>>
        %dma_start3A_111 = arith.constant 0 : i32
        %dma_start3A_112 = tpu.memref_slice %arg12[%dma_start3A_111] : memref<1769472xf32, #tpu.memory_space<vmem_shared>> -> memref<1769472xf32, #tpu.memory_space<vmem_shared>>
        %dma_start3A_113 = arith.constant -1 : i32
        tpu.enqueue_indirect_dma source(%arg10 : memref<1920xf32, #tpu.memory_space<vmem>>) target(%dma_start3A_112 : memref<1769472xf32, #tpu.memory_space<vmem_shared>>) offsets(%arg9 : memref<1920xi32, #tpu.memory_space<vmem>>) offset_filter(%dma_start3A_113) semaphore(%run_scoped3A : memref<!tpu.dma_semaphore, #tpu.memory_space<semaphore_mem>>) {add = true}
        %dma_wait3A = arith.constant 0 : i32
        %dma_wait3A_114 = tpu.memref_slice %arg12[%dma_wait3A] : memref<1769472xf32, #tpu.memory_space<vmem_shared>> -> memref<1769472xf32, #tpu.memory_space<vmem_shared>>
        tpu.wait_indirect_dma semaphore(%run_scoped3A : memref<!tpu.dma_semaphore, #tpu.memory_space<semaphore_mem>>) src(%arg10 : memref<1920xf32, #tpu.memory_space<vmem>>) dst(%dma_wait3A_114 : memref<1769472xf32, #tpu.memory_space<vmem_shared>>)
        tpu.yield
      }) : () -> ()
      %barrier3A_104 = arith.constant 0 : index
      tpu.barrier barrier_id(%barrier3A_104)
      %mul3A_105 = arith.constant 110592 : i32
      %mul3A_106 = arith.muli %arg1, %mul3A_105 : i32
      %mul3A_107 = arith.constant 110592 : i32
      %mul3A_108 = arith.muli %arg1, %mul3A_107 : i32
      %add3A_109 = arith.addi %add3A_40, %mul3A_108 : i32
      "tpu.region"() ({
        %run_scoped3A = tpu.sem_alloc : memref<!tpu.dma_semaphore, #tpu.memory_space<semaphore_mem>>
        %dma_start3A_111 = tpu.memref_slice %arg4[%add3A_109] : memref<56623104xf32, #tpu.memory_space<hbm>> -> memref<110592xf32, #tpu.memory_space<hbm>>
        %dma_start3A_112 = tpu.memref_slice %arg12[%mul3A_106] : memref<1769472xf32, #tpu.memory_space<vmem_shared>> -> memref<110592xf32, #tpu.memory_space<vmem_shared>>
        tpu.enqueue_dma source(%dma_start3A_112 : memref<110592xf32, #tpu.memory_space<vmem_shared>>) target(%dma_start3A_111 : memref<110592xf32, #tpu.memory_space<hbm>>) target_semaphore(%run_scoped3A : memref<!tpu.dma_semaphore, #tpu.memory_space<semaphore_mem>>)
        %dma_wait3A = tpu.memref_slice %arg4[%add3A_109] : memref<56623104xf32, #tpu.memory_space<hbm>> -> memref<110592xf32, #tpu.memory_space<hbm>>
        %dma_wait3A_113 = tpu.memref_slice %arg12[%mul3A_106] : memref<1769472xf32, #tpu.memory_space<vmem_shared>> -> memref<110592xf32, #tpu.memory_space<vmem_shared>>
        tpu.wait_dma2 semaphore(%run_scoped3A : memref<!tpu.dma_semaphore, #tpu.memory_space<semaphore_mem>>) src(%dma_wait3A_113 : memref<110592xf32, #tpu.memory_space<vmem_shared>>) dst(%dma_wait3A : memref<110592xf32, #tpu.memory_space<hbm>>)
        tpu.yield
      }) : () -> ()
      %barrier3A_110 = arith.constant 0 : index
      tpu.barrier barrier_id(%barrier3A_110)
    }
    %scan3A_36 = arith.constant 16 : i32
    return
  }
}

</mosaic_0001>

<sc_bundles>
// kernel: kernel.3.cloned.1.call-start
scs
__scs_entry_jumppad:
0x0: {  	(pc) =	sbr.rel $0x88, $3  }
0x1: {  	(tag) =	ssettag $0x0;
	lr =	simm.s32 $0x1  }
0x2: {  	[smem:$0x3F9F] =	sst lr;
	_ =	strace $0xD0000000  }
0x3: {  	_ = 	snop  }
0x4: {  	_ = 	snop  }
0x5: {  	_ = 	snop  }
0x6: {  	_ = 	snop  }
0x7: {  	_ = 	snop  }
__scs_overlays_trampoline_lowered:
0x8: {  	[smem:$0x3FAE] =	sst s0  }
0x9: {  	[smem:$0x3FAF] =	sst s1  }
0xa: {  	[smem:$0x3FB0] =	sst s2  }
0xb: {  	[smem:$0x3FB1] =	sst s3  }
0xc: {  	[smem:$0x3FB2] =	sst s4  }
0xd: {  	[smem:$0x3FB3] =	sst s5  }
0xe: {  	[smem:$0x3FB4] =	sst s6  }
0xf: {  	[smem:$0x3FB5] =	sst s7  }
0x10: {  	[smem:$0x3FB6] =	sst s8  }
0x11: {  	[smem:$0x3FB7] =	sst s9;
	s0 =	simm.s32 @!p0 $0x0  }
0x12: {  	s1 =	sld [smem:$0x3F9D];
	s0 =	simm.s32 @p0 $0x1  }
0x13: {  	[smem:$0x3FB8] =	sst s0;
	s0 =	simm.s32 @!p1 $0x0  }
0x14: {  	s2 =	sld [smem:$0x3F9C];
	s0 =	simm.s32 @p1 $0x1  }
0x15: {  	[smem:$0x3FB9] =	sst s0;
	s0 =	simm.s32 @!p2 $0x0  }
0x16: {  	s3 =	sld [smem:$0x3FDB];
	s0 =	simm.s32 @p2 $0x1  }
0x17: {  	s4 =	simm.s32 $0x1BF5;
	[smem:$0x3FBB] =	sst s0  }
0x18: {  	s0 =	sld [smem:$0x3F9E];
	_ =	swait.ge [sflag:s4], $0x0  }
0x19: {  	s7 =	sld [smem:$0x3F9F]  }
0x1a: {  	s8 =	sadd.s32 $0xFFFFE003, lr  }
0x1b: {  	s9 =	sadd.s32 $0xFFFFFEF7, lr;
	s5 =	simm.s32 $0xFFFFFFFF;
	p2 =	slt.u32 s8, $0xFFFFF086  }
0x1c: {  	p1 =	slt.u32 s9, $0xF7A;
	s5 =	simm.s32 @!p2 $0x0  }
0x1d: {  	s5 =	simm.s32 @p1 $0x1;
	p0 =	seq.s32 s7, s2  }
0x1e: {  	s7 =	smul.u32 @!p0 $0xF7A, s2;
	p2 =	seq.s32 @!p0 s5, $0x0  }
0x1f: {  	s9 =	smul.u32 $0xF7A, s1;
	s8 =	simm.s32 @!p0 $0x1BF5;
	p2 =	por !p2, p0  }
0x20: {  	[sflag:s8] =	ssyncset.s32 @!p0 $0xFFFFF086;
	s6 =	sadd.s32 @!p0 s3, s7;
	s7 =	simm.s32 @!p0 $0x108  }
0x21: {  	s3 =	sadd.s32 s3, s9;
	s6 =	sadd.s32 @!p0 $0x88, s6;
	s7 =	simm.s32 @p2 $0x1082  }
0x22: {  	[simem:s7], [sflag:s8] =	dma.local @!p0 [hbm:s6], $0xF7A  }
0x23: {  	s9 =	sor.u32 $0xD0000000, s2;
	s6 =	simm.s32 $0x108;
	_ =	swait.ge @!p0 [sflag:s8], $0x0  }
0x24: {  	s3 =	sadd.s32 $0x88, s3;
	s6 =	simm.s32 @!p1 $0x1082;
	[sflag:s4] =	ssyncset.s32 $0xFFFFF086  }
0x25: {  	[simem:s6], [sflag:s4] =	dma.local [hbm:s3], $0xF7A  }
0x26: {  	[smem:$0x3F9F] =	sst s1;
	(tag) =	ssettag s2;
	_ =	strace s9  }
0x27: {  	s1 =	sld [smem:$0x3FAF]  }
0x28: {  	s2 =	sld [smem:$0x3FB0]  }
0x29: {  	s4 =	sld [smem:$0x3FB2]  }
0x2a: {  	p0 =	seq.s32 s5, $0x0;
	s5 =	sld [smem:$0x3FB3]  }
0x2b: {  	s6 =	sld [smem:$0x3FB4]  }
0x2c: {  	s7 =	sld [smem:$0x3FB5]  }
0x2d: {  	s3 =	simm.s32 $0x108;
	s8 =	sld [smem:$0x3FB6]  }
0x2e: {  	s3 =	simm.s32 @!p0 $0x1082;
	s9 =	sld [smem:$0x3FB7]  }
0x2f: {  	lr =	sadd.s32 s0, s3;
	s0 =	sld [smem:$0x3FAE]  }
0x30: {  	s3 =	sld [smem:$0x3FB1]  }
0x31: {  	[smem:$0x3FBA] =	sst s10  }
0x32: {  	s10 =	sld [smem:$0x3FB8];
	_ =	sdelay $0x3  }
0x33: {  	p0 =	seq.s32 s10, $0x1;
	s10 =	sld [smem:$0x3FBA];
	_ =	sdelay $0x3  }
0x34: {  	[smem:$0x3FBA] =	sst s10  }
0x35: {  	s10 =	sld [smem:$0x3FB9];
	_ =	sdelay $0x3  }
0x36: {  	p1 =	seq.s32 s10, $0x1;
	s10 =	sld [smem:$0x3FBA];
	_ =	sdelay $0x3  }
0x37: {  	[smem:$0x3FBA] =	sst s10  }
0x38: {  	s10 =	sld [smem:$0x3FBB]  }
0x39: {  	_ = 	snop;
	(pc) =	sbr.ind lr, $3  }
0x3a: {  	_ = 	snop  }
0x3b: {  	_ = 	snop  }
0x3c: {  	p2 =	seq.s32 s10, $0x1;
	s10 =	sld [smem:$0x3FBA]  }
0x3d: {  	_ =	shalt  }
0x3e: {  	_ =	shalt  }
0x3f: {  	_ =	shalt  }
0x40: {  	_ =	shalt  }
0x41: {  	_ =	shalt  }
0x42: {  	_ =	shalt  }
0x43: {  	_ =	shalt  }
0x44: {  	_ =	shalt  }
0x45: {  	_ =	shalt  }
0x46: {  	_ =	shalt  }
0x47: {  	_ =	shalt  }
0x48: {  	_ =	shalt  }
0x49: {  	_ =	shalt  }
0x4a: {  	_ =	shalt  }
0x4b: {  	_ =	shalt  }
0x4c: {  	_ =	shalt  }
0x4d: {  	_ =	shalt  }
0x4e: {  	_ =	shalt  }
0x4f: {  	_ =	shalt  }
0x50: {  	_ =	shalt  }
0x51: {  	_ =	shalt  }
0x52: {  	_ =	shalt  }
0x53: {  	_ =	shalt  }
0x54: {  	_ =	shalt  }
0x55: {  	_ =	shalt  }
0x56: {  	_ =	shalt  }
0x57: {  	_ =	shalt  }
0x58: {  	_ =	shalt  }
0x59: {  	_ =	shalt  }
0x5a: {  	_ =	shalt  }
0x5b: {  	_ =	shalt  }
0x5c: {  	_ =	shalt  }
0x5d: {  	_ =	shalt  }
0x5e: {  	_ =	shalt  }
0x5f: {  	_ =	shalt  }
0x60: {  	_ =	shalt  }
0x61: {  	_ =	shalt  }
0x62: {  	_ =	shalt  }
0x63: {  	_ =	shalt  }
0x64: {  	_ =	shalt  }
0x65: {  	_ =	shalt  }
0x66: {  	_ =	shalt  }
0x67: {  	_ =	shalt  }
0x68: {  	_ =	shalt  }
0x69: {  	_ =	shalt  }
0x6a: {  	_ =	shalt  }
0x6b: {  	_ =	shalt  }
0x6c: {  	_ =	shalt  }
0x6d: {  	_ =	shalt  }
0x6e: {  	_ =	shalt  }
0x6f: {  	_ =	shalt  }
0x70: {  	_ =	shalt  }
0x71: {  	_ =	shalt  }
0x72: {  	_ =	shalt  }
0x73: {  	_ =	shalt  }
0x74: {  	_ =	shalt  }
0x75: {  	_ =	shalt  }
0x76: {  	_ =	shalt  }
0x77: {  	_ =	shalt  }
0x78: {  	_ =	shalt  }
0x79: {  	_ =	shalt  }
0x7a: {  	_ =	shalt  }
0x7b: {  	_ =	shalt  }
0x7c: {  	_ =	shalt  }
0x7d: {  	_ =	shalt  }
0x7e: {  	_ =	shalt  }
0x7f: {  	_ =	shalt  }
0x80: {  	_ =	shalt  }
0x81: {  	_ =	shalt  }
0x82: {  	_ =	shalt  }
0x83: {  	_ =	shalt  }
0x84: {  	_ =	shalt  }
0x85: {  	_ =	shalt  }
0x86: {  	_ =	shalt  }
0x87: {  	_ =	shalt  }
.Lfunc_end0:
.L_simem_size_0:
called_computation.1_lowered:
.L_overlay_start_0:
0x88: {  	s2 =	sld [smem:$0x3FD9]  }
0x89: {  	s3 =	sld [smem:$0x3FFE];
	_ =	sdelay $0x1  }
0x8a: {  	s1 =	srdreg.scid  }
0x8b: {  	s0 =	sand.u32 $0x1, s1  }
0x8c: {  	s17 =	sshll.u32 s0, $0xA;
	s2 =	sadd.s32 s3, s2  }
0x8d: {  	s2 =	sadd.s32 s2, s17  }
0x8e: {  	[smem:$0x3FC6] =	sst s2  }
0x8f: {  	_ = 	snop  }
0x90: {  	s2 =	sld [smem:$0x3FD0];
	(tm) =	ssettm $0x1  }
0x91: {  	s18 =	sld [smem:$0x3FFB];
	_ =	sdelay $0x3  }
0x92: {  	_ =	strace s18  }
0x93: {  	s3 =	sld [smem:$0x3FFC];
	_ =	sdelay $0x3  }
0x94: {  	_ =	strace s3  }
0x95: {  	s3 =	sld [smem:$0x3FFD];
	_ =	sdelay $0x3  }
0x96: {  	_ =	strace s3  }
0x97: {  	_ =	strace $0x8FFFFFFF  }
0x98: {  	s19 =	sld [smem:$0x3FDB];
	_ =	sdelay $0x1  }
0x99: {  	s4 =	simm.s32 $_scs_section_size  }
0x9a: {  	s5 =	simm.s32 $_size__tile_overlayer_lowered;
	s6 =	simm.s32 $_tile_overlayer_lowered  }
0x9b: {  	s22 =	simm.s32 $0x1BFF;
	s21 =	sshll.u32 s6, $0x1;
	s3 =	sadd.s32 s4, s19  }
0x9c: {  	s7 =	simm.s32 $0x0;
	s20 =	sshll.u32 s5, $0x1;
	s5 =	sadd.s32 s21, s3  }
0x9d: {  	[timem:s7], [sflag:s22] =	dma.local [hbm:s5], s20  }
0x9e: {  	_ =	swait.ge [sflag:s22], s20  }
0x9f: {  	s4 =	ssub.s32 $0x0, s20;
	[sflag:s22] =	ssyncset.done $0x0  }
0xa0: {  	[sflag:s22] =	ssyncadd.s32 s4;
	_ =	sdelay $0x1  }
0xa1: {  	s23 =	simm.s32 $0x1B8B  }
0xa2: {  	_ =	swait.ge [sflag:s23], $0x1  }
0xa3: {  	[sflag:s23] =	ssyncset.done $0x0  }
0xa4: {  	s25 =	simm.s32 $0x1B8E;
	s24 =	sld [smem:$0x3FFE];
	[sflag:s23] =	ssyncadd.s32 $0xFFFFFFFF  }
0xa5: {  	s26 =	simm.s32 $execute0_lowered;
	[smem:$0x3FD2] =	sst s25  }
0xa6: {  	s5 =	sshll.u32 s26, $0x1;
	_ =	strace $0x80000046;
	[dreg:$0x1] =	wrdreg $0xFFFFFFFF  }
0xa7: {  	s28 =	simm.s32 $_size_execute0_lowered;
	s3 =	sadd.s32 s3, s5;
	[dreg:$0x0] =	wrdreg $0x0  }
0xa8: {  	s5 =	sshll.u32 s28, $0x1;
	[dreg:$0x2] =	wrdreg s3  }
0xa9: {  	[dreg:$0x3] =	wrdreg s5  }
0xaa: {  	[dreg:$0x4] =	wrdreg $0xC0  }
0xab: {  	_ =	task [dreg:s7], $0x5FFFF  }
0xac: {  	[dreg:$0x1] =	wrdreg $0xFFFFFFFF  }
0xad: {  	[dreg:$0x0] =	wrdreg $0x60  }
0xae: {  	[dreg:$0x2] =	wrdreg s24  }
0xaf: {  	[dreg:$0x3] =	wrdreg s2  }
0xb0: {  	[dreg:$0x4] =	wrdreg $0x4F000  }
0xb1: {  	[dreg:$0x5] =	wrdreg $0x9  }
0xb2: {  	_ =	task.clear_ibuf [dreg:s7], $0x6FFFF;
	_ =	strace $0x90000046  }
0xb3: {  	s29 =	simm.s32 $0x9;
	_ =	strace $0x80000048  }
0xb4: {  	_ =	swait.ge [sflag:s29], $0x1  }
0xb5: {  	[sflag:s29] =	ssyncadd.s32 $0xFFFFFFFF  }
0xb6: {  	_ =	strace $0x90000048  }
0xb7: {  	_ =	sfence  }
0xb8: {  	s30 =	sld [smem:$0x0];
	_ =	sdelay $0x2  }
0xb9: {  	s31 =	sshll.u32 s1, $0xD;
	s1 =	sshrl.u32 s1, $0x2  }
0xba: {  	s3 =	sand.u32 $0x4000, s31;
	s1 =	sadd.s32 s1, s30  }
0xbb: {  	s0 =	sor.u32 s3, s0;
	s1 =	sshll.u32 s1, $0x11  }
0xbc: {  	s0 =	sor.u32 s1, s0  }
0xbd: {  	s0 =	sadd.s32 $0x8F2B, s0  }
0xbe: {  	[sflag:s0] =	ssyncadd.remote.s32 $0x1  }
0xbf: {  	_ =	sfence.sel $0xFFFF  }
0xc0: {  	[dreg:$0x0] =	wrdreg $0xFFFFFFFF;
	(pc) =	sbr.abs _section_cstart, $3  }
0xc1: {  	[dreg:$0x1] =	wrdreg $0xFFFFFFFF  }
0xc2: {  	_ =	task.clear_ibuf [dreg:s7], $0x2FFFF;
	_ =	strace $0x9FFFFFFF  }
0xc3: {  	(tm) =	ssettm $0x7FFFFFFF  }
tec
execute0_lowered:
.L_overlay_start_1:
0x0: {  	(tag) =	ssettag $0x1  }
0x1: {  	s0 =	rddreg [dreg:$0x0]  }
0x2: {  	s2 =	rddreg [dreg:$0x2];
	s10 =	stileid.u32  }
0x3: {  	s4 =	simm.s32 $0x0;
	s1 =	srdreg.scid;
	s9 =	smul.u32 $0x6C000, s10  }
0x4: {  	[smem:$0x7FF] =	sst s4;
	s1 =	sand.u32 $0x1, s1;
	s15 =	smul.u32 $0x1B000, s10  }
0x5: {  	s25 =	sshrl.u32 s10, $0x3;
	s3 =	ssub.s32 $0x2, s1;
	s7 =	smul.u32 $0x6C0000, s1  }
0x6: {  	_ =	strace $0x80000047;
	s24 =	sshll.u32 s1, $0x1;
	s1 =	smul.u32 $0x1B00000, s1  }
0x7: {  	s8 =	sshrl.u32 s3, $0x1;
	s26 =	sor.u32 s25, s24;
	s28 =	sshrl.u32 s9, $0x2  }
0x8: {  	[dreg:$0xe] =	wrdreg s15;
	s22 =	ssub.s32 s3, s8;
	s23 =	sadd.s32 s9, s7  }
0x9: {  	[dreg:$0x4] =	wrdreg s1;
	s8 =	smul.u32 $0xD80000, s26;
	s7 =	sadd.s32 s28, s2  }
0xa: {  	s5 =	sadd.s32 $0x1B0800, s0;
	[dreg:$0x6] =	wrdreg s7  }
0xb: {  	s6 =	sadd.s32 $0x800, s0;
	s0 =	smax.u32 s22, $0x1;
	[dreg:$0x5] =	wrdreg s8  }
0xc: {  	s17 =	sadd.s32 $0x2400, s7;
	[dreg:$0x11] =	wrdreg s0  }
0xd: {  	s29 =	sshrl.u32 s23, $0x3;
	s18 =	sadd.s32 $0x4800, s7;
	[dreg:$0x12] =	wrdreg s17  }
0xe: {  	s20 =	sor.u32 $0xD80, s23;
	s22 =	sadd.s32 $0x6C00, s7;
	[dreg:$0x13] =	wrdreg s18  }
0xf: {  	s21 =	sor.u32 $0x1440, s23;
	s23 =	sadd.s32 $0x9000, s7;
	[dreg:$0x15] =	wrdreg s22  }
0x10: {  	s24 =	sadd.s32 $0xB400, s7;
	[dreg:$0x16] =	wrdreg s23  }
0x11: {  	s25 =	sadd.s32 $0xD800, s7;
	[dreg:$0x17] =	wrdreg s24  }
0x12: {  	s26 =	sadd.s32 $0xFC00, s7;
	[dreg:$0x18] =	wrdreg s25  }
0x13: {  	s28 =	sadd.s32 $0x12000, s7;
	[dreg:$0x19] =	wrdreg s26  }
0x14: {  	s30 =	sadd.s32 s5, s29;
	[dreg:$0x1a] =	wrdreg s28  }
0x15: {  	s31 =	sadd.s32 s6, s29;
	[dreg:$0x7] =	wrdreg s30  }
0x16: {  	s12 =	sor.u32 $0x10, s8;
	[dreg:$0x8] =	wrdreg s31  }
0x17: {  	s10 =	simm.s32 $0x3;
	s13 =	sor.u32 $0x20, s8;
	[dreg:$0xb] =	wrdreg s12  }
0x18: {  	s9 =	simm.s32 $0x4;
	s14 =	sor.u32 $0x30, s8;
	[dreg:$0xc] =	wrdreg s13  }
0x19: {  	s1 =	sor.u32 $0xD8, s29;
	s16 =	sor.u32 $0x40, s8;
	[dreg:$0xd] =	wrdreg s14  }
0x1a: {  	s8 =	sor.u32 $0x50, s8;
	s29 =	sadd.s32 $0x14400, s7;
	[dreg:$0xf] =	wrdreg s16  }
0x1b: {  	s11 =	sadd.s32 s5, s1;
	s1 =	sadd.s32 s6, s1;
	[dreg:$0x10] =	wrdreg s8  }
0x1c: {  	[dreg:$0x1b] =	wrdreg s29;
	s30 =	sadd.s32 $0x16800, s7;
	s31 =	sadd.s32 $0x18C00, s7  }
.Ltmp0:
0x1d: {  	s12 =	simm.s32 $0x1;
	[dreg:$0x9] =	wrdreg s11;
	(pc) =	sbr.rel .LBB2_1-.Ltmp0, $4  }
0x1e: {  	s13 =	simm.s32 $0x780;
	s14 =	simm.s32 $0x1C00;
	[dreg:$0xa] =	wrdreg s1  }
0x1f: {  	s16 =	simm.s32 $0x2;
	s1 =	sadd.s32 s15, s2;
	[dreg:$0x1c] =	wrdreg s30  }
0x20: {  	[dreg:$0x1d] =	wrdreg s31;
	s11 =	simm.s32 $0x1500;
	s19 =	sshrl.u32 s1, $0x3  }
0x21: {  	v0 =	vimm.f32 $0.0e+00;
	v1 =	vlaneseq.u32;
	s15 =	simm.s32 $0x2380;
	s1 =	simm.s32 $0x0;
	[dreg:$0x14] =	wrdreg s19  }
.LBB2_27:
0x22: {  	s1 =	rddreg [dreg:$0x1e]  }
0x23: {  	s0 =	rddreg [dreg:$0x11];
	s1 =	sadd.s32 $0x1, s1  }
0x24: {  	p0 =	sne.s32 s1, s0  }
.Ltmp1:
0x25: {  	_ = 	snop;
	(pc) =	sbr.rel @!p0 .LBB2_28-.Ltmp1, $1  }
0x26: {  	_ =	sdelay $0x3  }
.LBB2_1:
0x27: {  	[dreg:$0x1e] =	wrdreg s1;
	s0 =	simm.s32 $0x40;
	s1 =	simm.s32 $0x0  }
.LBB2_2:
0x28: {  	p0 =	sne.s32 s0, $0x8FC0;
	[tilespmem:s1+$0x2B00] =	vst v0;
	s1 =	smov.u32 s0;
	s0 =	sadd.s32 $0x40, s0  }
.Ltmp2:
0x29: {  	(pc) =	sbr.rel @p0 .LBB2_2-.Ltmp2, $2  }
0x2a: {  	_ =	sdelay $0x2  }
0x2b: {  	s1 =	sshra.s32 s1, $0x2  }
0x2c: {  	[tilespmem:s1+$0x2B00] =	vst v0;
	s3 =	simm.s32 $0x0  }
.LBB2_4:
0x2d: {  	s0 =	rddreg [dreg:$0x6];
	s1 =	simm.s32 $0x2B00  }
0x2e: {  	[spmem:s0] =	stream.linear.scatter [tilespmem:s1], [sflag:$0x3], $0x2400, $0x38;
	[tilespmem:$0x1FF00] =	vst v63  }
0x2f: {  	s18 =	rddreg [dreg:$0x12]  }
0x30: {  	[spmem:s18] =	stream.linear.scatter [tilespmem:s1], [sflag:$0x3], $0x2400, $0x38;
	[tilespmem:$0x1FF00] =	vst v63  }
0x31: {  	s19 =	rddreg [dreg:$0x13]  }
0x32: {  	[spmem:s19] =	stream.linear.scatter [tilespmem:s1], [sflag:$0x3], $0x2400, $0x38;
	[tilespmem:$0x1FF00] =	vst v63  }
0x33: {  	s22 =	rddreg [dreg:$0x15]  }
0x34: {  	[spmem:s22] =	stream.linear.scatter [tilespmem:s1], [sflag:$0x3], $0x2400, $0x38;
	[tilespmem:$0x1FF00] =	vst v63  }
0x35: {  	s23 =	rddreg [dreg:$0x16]  }
0x36: {  	[spmem:s23] =	stream.linear.scatter [tilespmem:s1], [sflag:$0x3], $0x2400, $0x38;
	[tilespmem:$0x1FF00] =	vst v63  }
0x37: {  	s24 =	rddreg [dreg:$0x17]  }
0x38: {  	[spmem:s24] =	stream.linear.scatter [tilespmem:s1], [sflag:$0x3], $0x2400, $0x38;
	[tilespmem:$0x1FF00] =	vst v63  }
0x39: {  	s25 =	rddreg [dreg:$0x18]  }
0x3a: {  	[spmem:s25] =	stream.linear.scatter [tilespmem:s1], [sflag:$0x3], $0x2400, $0x38;
	[tilespmem:$0x1FF00] =	vst v63  }
0x3b: {  	s26 =	rddreg [dreg:$0x19]  }
0x3c: {  	[spmem:s26] =	stream.linear.scatter [tilespmem:s1], [sflag:$0x3], $0x2400, $0x38;
	[tilespmem:$0x1FF00] =	vst v63  }
0x3d: {  	s28 =	rddreg [dreg:$0x1a]  }
0x3e: {  	[spmem:s28] =	stream.linear.scatter [tilespmem:s1], [sflag:$0x3], $0x2400, $0x38;
	[tilespmem:$0x1FF00] =	vst v63  }
0x3f: {  	s29 =	rddreg [dreg:$0x1b]  }
0x40: {  	[spmem:s29] =	stream.linear.scatter [tilespmem:s1], [sflag:$0x3], $0x2400, $0x38;
	[tilespmem:$0x1FF00] =	vst v63  }
0x41: {  	s30 =	rddreg [dreg:$0x1c]  }
0x42: {  	[spmem:s30] =	stream.linear.scatter [tilespmem:s1], [sflag:$0x3], $0x2400, $0x38;
	[tilespmem:$0x1FF00] =	vst v63  }
0x43: {  	s31 =	rddreg [dreg:$0x1d]  }
0x44: {  	[spmem:s31] =	stream.linear.scatter [tilespmem:s1], [sflag:$0x3], $0x2400, $0x38;
	[tilespmem:$0x1FF00] =	vst v63  }
0x45: {  	_ =	swait.ge [sflag:s10], $0x2400  }
0x46: {  	[sflag:s10] =	ssyncset.done $0x0  }
0x47: {  	[sflag:s10] =	ssyncadd.s32 $0xFFFFDC00  }
0x48: {  	_ =	swait.ge [sflag:s10], $0x2400  }
0x49: {  	[sflag:s10] =	ssyncset.done $0x0  }
0x4a: {  	[sflag:s10] =	ssyncadd.s32 $0xFFFFDC00  }
0x4b: {  	_ =	swait.ge [sflag:s10], $0x2400  }
0x4c: {  	[sflag:s10] =	ssyncset.done $0x0  }
0x4d: {  	[sflag:s10] =	ssyncadd.s32 $0xFFFFDC00  }
0x4e: {  	_ =	swait.ge [sflag:s10], $0x2400  }
0x4f: {  	[sflag:s10] =	ssyncset.done $0x0  }
0x50: {  	[sflag:s10] =	ssyncadd.s32 $0xFFFFDC00  }
0x51: {  	_ =	swait.ge [sflag:s10], $0x2400  }
0x52: {  	[sflag:s10] =	ssyncset.done $0x0  }
0x53: {  	[sflag:s10] =	ssyncadd.s32 $0xFFFFDC00  }
0x54: {  	_ =	swait.ge [sflag:s10], $0x2400  }
0x55: {  	[sflag:s10] =	ssyncset.done $0x0  }
0x56: {  	[sflag:s10] =	ssyncadd.s32 $0xFFFFDC00  }
0x57: {  	_ =	swait.ge [sflag:s10], $0x2400  }
0x58: {  	[sflag:s10] =	ssyncset.done $0x0  }
0x59: {  	[sflag:s10] =	ssyncadd.s32 $0xFFFFDC00  }
0x5a: {  	_ =	swait.ge [sflag:s10], $0x2400  }
0x5b: {  	[sflag:s10] =	ssyncset.done $0x0  }
0x5c: {  	[sflag:s10] =	ssyncadd.s32 $0xFFFFDC00  }
0x5d: {  	_ =	swait.ge [sflag:s10], $0x2400  }
0x5e: {  	[sflag:s10] =	ssyncset.done $0x0  }
0x5f: {  	[sflag:s10] =	ssyncadd.s32 $0xFFFFDC00  }
0x60: {  	_ =	swait.ge [sflag:s10], $0x2400  }
0x61: {  	[sflag:s10] =	ssyncset.done $0x0  }
0x62: {  	[sflag:s10] =	ssyncadd.s32 $0xFFFFDC00  }
0x63: {  	_ =	swait.ge [sflag:s10], $0x2400  }
0x64: {  	[sflag:s10] =	ssyncset.done $0x0  }
0x65: {  	[sflag:s10] =	ssyncadd.s32 $0xFFFFDC00  }
0x66: {  	_ =	swait.ge [sflag:s10], $0x2400  }
0x67: {  	[sflag:s10] =	ssyncset.done $0x0  }
0x68: {  	[sflag:s10] =	ssyncadd.s32 $0xFFFFDC00  }
0x69: {  	[bflag:$0x0] =	sbarrier.arrive $0xFFFF  }
0x6a: {  	s1 =	rddreg [dreg:$0x7]  }
0x6b: {  	s8 =	rddreg [dreg:$0x8]  }
0x6c: {  	[dreg:$0x1f] =	wrdreg s3  }
0x6d: {  	s19 =	rddreg [dreg:$0x9]  }
0x6e: {  	s23 =	rddreg [dreg:$0x4]  }
0x6f: {  	s24 =	rddreg [dreg:$0xa]  }
0x70: {  	s25 =	rddreg [dreg:$0x5]  }
0x71: {  	s26 =	rddreg [dreg:$0xb]  }
0x72: {  	s28 =	rddreg [dreg:$0xc]  }
0x73: {  	s7 =	simm.s32 $0x0;
	s29 =	rddreg [dreg:$0xd]  }
0x74: {  	[tilespmem:s7], [sflag:$0x1] =	stream.linear.gather [hbm4b:s1+s7], $0x6C0, $0x38;
	[tilespmem:$0x1FF00] =	vst v63  }
0x75: {  	s17 =	simm.s32 $0x700;
	s18 =	smul.u32 $0x1B0000, s3;
	s30 =	rddreg [dreg:$0xf]  }
0x76: {  	[tilespmem:s17], [sflag:$0x1] =	stream.linear.gather [hbm4b:s8+s7], $0x6C0, $0x38;
	[tilespmem:$0x1FF00] =	vst v63  }
0x77: {  	s22 =	simm.s32 $0xE00;
	s31 =	rddreg [dreg:$0x10];
	s8 =	sadd.s32 s23, s18  }
0x78: {  	s0 =	ssub.s32 s25, s8;
	s1 =	ssub.s32 s26, s8;
	s3 =	ssub.s32 s28, s8  }
0x79: {  	[tilespmem:s22], [sflag:$0x2] =	stream.linear.gather [hbm4b:s19+s7], $0x6C0, $0x38;
	[tilespmem:$0x1FF00] =	vst v63  }
0x7a: {  	v2 =	vor.u32 s0, v1;
	v3 =	vor.u32 s1, v1;
	v4 =	vor.u32 s3, v1;
	s0 =	ssub.s32 s29, s8;
	s1 =	ssub.s32 s30, s8;
	s3 =	ssub.s32 s31, s8  }
0x7b: {  	[tilespmem:s11], [sflag:$0x2] =	stream.linear.gather [hbm4b:s24+s7], $0x6C0, $0x38;
	[tilespmem:$0x1FF00] =	vst v63  }
0x7c: {  	s23 =	simm.s32 $0x0;
	[smem:$0x7FD] =	sst s8;
	v5 =	vor.u32 s0, v1;
	v6 =	vor.u32 s1, v1;
	v7 =	vor.u32 s3, v1;
	s24 =	simm.s32 $0x0  }
.LBB2_5:
0x7d: {  	_ =	swait.ge [sflag:s12], $0x6C0  }
.Ltmp3:
0x7e: {  	[sflag:s12] =	ssyncset.done $0x0;
	(pc) =	sbr.rel .LBB2_6-.Ltmp3, $4  }
0x7f: {  	[sflag:s12] =	ssyncadd.s32 $0xFFFFF940  }
0x80: {  	_ =	swait.ge [sflag:s12], $0x6C0  }
0x81: {  	[sflag:s12] =	ssyncset.done $0x0  }
0x82: {  	s25 =	simm.s32 $0x0;
	s26 =	smov.u32 s24;
	[sflag:s12] =	ssyncadd.s32 $0xFFFFF940  }
.LBB2_10:
0x83: {  	(ifvalue) =	ssetifvalue $0xFFFFFFFF  }
0x84: {  	[spmem:s2] =	stream.indirect.scatter.add.f32 [tilespmem:s15], [sflag:$0x4], $0x1, s14, s13, $0x40b8;
	[tilespmem:$0x1FF00] =	vst v63  }
0x85: {  	_ =	swait.ge [sflag:s9], $0x780  }
0x86: {  	[sflag:s9] =	ssyncset.done $0x0  }
0x87: {  	[sflag:s9] =	ssyncadd.s32 $0xFFFFF880  }
.LBB2_11:
0x88: {  	p0 =	sgt.s32 s24, $0x6BF;
	s25 =	sadd.s32 $0x1, s25  }
0x89: {  	s24 =	simm.s32 @p0 $0x0;
	p0 =	sne.s32 s25, $0x9  }
.Ltmp4:
0x8a: {  	_ = 	snop;
	(pc) =	sbr.rel @!p0 .LBB2_12-.Ltmp4, $2  }
0x8b: {  	_ =	sdelay $0x2  }
0x8c: {  	s26 =	smov.u32 s24  }
.LBB2_6:
0x8d: {  	s24 =	smul.u32 $0xC0, s25;
	_ =	sdelay $0x1  }
0x8e: {  	v8 =	vld [tilespmem:s24+$0x0]  }
0x8f: {  	v9 =	vld [tilespmem:s24+$0x10]  }
0x90: {  	v10 =	vld [tilespmem:s24+$0x20]  }
0x91: {  	v11 =	vld [tilespmem:s24+$0x30]  }
0x92: {  	v12 =	vld [tilespmem:s24+$0x40]  }
0x93: {  	v13 =	vld [tilespmem:s24+$0x50]  }
0x94: {  	v16 =	vld [tilespmem:s24+$0x60]  }
0x95: {  	v18 =	vld [tilespmem:s24+$0x90]  }
0x96: {  	s0 =	sand.u32 $0xFC0, s24;
	v19 =	vld [tilespmem:s24+$0xA0];
	v8 =	vshrl.u32 v8, $0x5  }
0x97: {  	v17 =	vld [tilespmem:s0+$0x80];
	v9 =	vshrl.u32 v9, $0x5;
	v10 =	vshrl.u32 v10, $0x5;
	v11 =	vshrl.u32 v11, $0x5  }
0x98: {  	v12 =	vshrl.u32 v12, $0x5;
	v13 =	vshrl.u32 v13, $0x5;
	v8 =	vcvt.s32.f32 v8  }
0x99: {  	v16 =	vshrl.u32 v16, $0x5;
	v9 =	vcvt.s32.f32 v9;
	v10 =	vcvt.s32.f32 v10  }
0x9a: {  	v18 =	vshrl.u32 v18, $0x5;
	v11 =	vcvt.s32.f32 v11;
	v12 =	vcvt.s32.f32 v12  }
0x9b: {  	v59 =	vld [tilespmem:s24+$0xB0];
	v19 =	vshrl.u32 v19, $0x5;
	v13 =	vcvt.s32.f32 v13;
	v16 =	vcvt.s32.f32 v16  }
0x9c: {  	v17 =	vshrl.u32 v17, $0x5;
	v18 =	vcvt.s32.f32 v18;
	v19 =	vcvt.s32.f32 v19  }
0x9d: {  	v58 =	vcvt.s32.f32 v17;
	v8 =	vmul.f32 $3.333333430e-01, v8  }
0x9e: {  	v9 =	vmul.f32 $3.333333430e-01, v9;
	v10 =	vmul.f32 $3.333333430e-01, v10  }
0x9f: {  	v11 =	vmul.f32 $3.333333430e-01, v11;
	v12 =	vmul.f32 $3.333333430e-01, v12  }
0xa0: {  	v17 =	vshrl.u32 v59, $0x5;
	v13 =	vmul.f32 $3.333333430e-01, v13;
	v16 =	vmul.f32 $3.333333430e-01, v16  }
0xa1: {  	v18 =	vmul.f32 $3.333333430e-01, v18;
	v17 =	vcvt.s32.f32 v17  }
0xa2: {  	v19 =	vmul.f32 $3.333333430e-01, v19;
	v8 =	vtrunc.f32 v8  }
0xa3: {  	v9 =	vtrunc.f32 v9;
	v10 =	vtrunc.f32 v10  }
0xa4: {  	v11 =	vtrunc.f32 v11;
	v12 =	vtrunc.f32 v12  }
0xa5: {  	v13 =	vtrunc.f32 v13;
	v16 =	vtrunc.f32 v16  }
0xa6: {  	v18 =	vtrunc.f32 v18;
	v17 =	vmul.f32 $3.333333430e-01, v17  }
0xa7: {  	v19 =	vtrunc.f32 v19;
	v8 =	vcvt.f32.s32 v8  }
0xa8: {  	v9 =	vcvt.f32.s32 v9;
	v10 =	vcvt.f32.s32 v10  }
0xa9: {  	v11 =	vcvt.f32.s32 v11;
	v12 =	vcvt.f32.s32 v12  }
0xaa: {  	v13 =	vcvt.f32.s32 v13;
	v56 =	vcvt.f32.s32 v16  }
0xab: {  	v16 =	vmul.f32 $3.333333430e-01, v58;
	v18 =	vcvt.f32.s32 v18;
	v8 =	vmul.u32 $0x60, v8  }
0xac: {  	v53 =	vld [tilespmem:s24+$0x70];
	v19 =	vcvt.f32.s32 v19;
	v17 =	vtrunc.f32 v17  }
0xad: {  	v9 =	vmul.u32 $0x60, v9;
	v10 =	vmul.u32 $0x60, v10;
	v8 =	vadd.s32 v2, v8  }
0xae: {  	v11 =	vmul.u32 $0x60, v11;
	v12 =	vmul.u32 $0x60, v12;
	vm1 =	vlt.u32 v8, $0x1B0000  }
0xaf: {  	v13 =	vmul.u32 $0x60, v13;
	v9 =	vadd.s32 v3, v9;
	v14 =	vmpcnt.ones.xlane vm1  }
0xb0: {  	v16 =	vtrunc.f32 v16;
	v10 =	vadd.s32 v4, v10;
	vm0 =	vlt.u32 v9, $0x1B0000  }
0xb1: {  	v15 =	vmpcnt.ones.xlane vm0;
	(v2sf) =	vpush v14, $0x0;
	v14 =	vshrl.u32 v53, $0x5  }
0xb2: {  	v11 =	vadd.s32 v5, v11;
	vm2 =	vlt.u32 v10, $0x1B0000;
	v14 =	vcvt.s32.f32 v14  }
0xb3: {  	v12 =	vadd.s32 v6, v12;
	v54 =	vmpcnt.ones.xlane vm2;
	(v2sf) =	vpush v15, $0x0  }
0xb4: {  	v13 =	vadd.s32 v7, v13;
	vm3 =	vlt.u32 v11, $0x1B0000;
	v14 =	vmul.f32 $3.333333430e-01, v14  }
0xb5: {  	v20 =	vld [tilespmem:s24+$0x700];
	vm4 =	vlt.u32 v12, $0x1B0000;
	v55 =	vmpcnt.ones.xlane vm3;
	(v2sf) =	vpush v54, $0x0  }
0xb6: {  	v22 =	vld [tilespmem:s24+$0x710];
	vm5 =	vlt.u32 v13, $0x1B0000;
	v57 =	vmpcnt.ones.xlane vm4;
	v14 =	vtrunc.f32 v14  }
0xb7: {  	v24 =	vld [tilespmem:s24+$0x720];
	v15 =	vmul.u32 $0x60, v56;
	(v2sf) =	vpush v55, $0x0;
	v14 =	vcvt.f32.s32 v14  }
0xb8: {  	v25 =	vld [tilespmem:s24+$0x730];
	v16 =	vcvt.f32.s32 v16;
	v21 =	vmpcnt.ones.xlane vm5  }
0xb9: {  	v26 =	vld [tilespmem:s24+$0x740];
	v15 =	vadd.s32 v2, v15;
	(v2sf) =	vpush v57, $0x0;
	v14 =	vmul.u32 $0x60, v14  }
0xba: {  	v27 =	vld [tilespmem:s24+$0x750];
	v18 =	vmul.u32 $0x60, v18;
	v16 =	vmul.u32 $0x60, v16;
	vm6 =	vlt.u32 v15, $0x1B0000  }
0xbb: {  	v28 =	vld [tilespmem:s24+$0x760];
	v23 =	vmpcnt.ones.xlane vm6;
	(v2sf) =	vpush v21, $0x0;
	v14 =	vadd.s32 v3, v14  }
0xbc: {  	v61 =	vld [tilespmem:s24+$0x770];
	v17 =	vcvt.f32.s32 v17;
	v19 =	vmul.u32 $0x60, v19;
	vm7 =	vlt.u32 v14, $0x1B0000  }
0xbd: {  	v30 =	vld [tilespmem:s24+$0x790];
	v16 =	vadd.s32 v4, v16;
	(v2sf) =	vpush v23, $0x0;
	v60 =	vmpcnt.ones.xlane vm7  }
0xbe: {  	v32 =	vld [tilespmem:s24+$0x7A0];
	v18 =	vadd.s32 v5, v18;
	v17 =	vmul.u32 $0x60, v17;
	vm8 =	vlt.u32 v16, $0x1B0000  }
0xbf: {  	v62 =	vld [tilespmem:s24+$0x7B0];
	v19 =	vadd.s32 v6, v19;
	v31 =	vmpcnt.ones.xlane vm8;
	(v2sf) =	vpush v60, $0x0  }
0xc0: {  	v29 =	vld [tilespmem:s0+$0x780];
	vm10 =	vlt.u32 v18, $0x1B0000;
	vm9 =	vlt.u32 v19, $0x1B0000;
	[tilespmem:s26+$0x1C00] =	vst.msk vm1, v8;
	s28 =	spop (v2sf)  }
0xc1: {  	v8 =	vmpcnt.ones.xlane vm10;
	v17 =	vadd.s32 v7, v17;
	[tilespmem:s26+$0x2380] =	vst.msk vm1, v20;
	(v2sf) =	vpush v31, $0x0;
	s24 =	sadd.s32 s26, s28  }
0xc2: {  	v63 =	vmpcnt.ones.xlane vm9;
	vm15 =	vlt.u32 v17, $0x1B0000;
	s29 =	spop (v2sf);
	[tilespmem:s24+$0x1C00] =	vst.msk vm0, v9  }
0xc3: {  	(v2sf) =	vpush v8, $0x0;
	v8 =	vmpcnt.ones.xlane vm15;
	s0 =	sadd.s32 s24, s29;
	[tilespmem:s24+$0x2380] =	vst.msk vm0, v22  }
0xc4: {  	s30 =	spop (v2sf);
	(v2sf) =	vpush v63, $0x0;
	[tilespmem:s0+$0x1C00] =	vst.msk vm2, v10  }
0xc5: {  	(v2sf) =	vpush v8, $0x0;
	[tilespmem:s0+$0x2380] =	vst.msk vm2, v24;
	s0 =	sadd.s32 s0, s30  }
0xc6: {  	s31 =	spop (v2sf);
	[tilespmem:s0+$0x1C00] =	vst.msk vm3, v11  }
0xc7: {  	s1 =	sadd.s32 s0, s31;
	[tilespmem:s0+$0x2380] =	vst.msk vm3, v25  }
0xc8: {  	s0 =	spop (v2sf);
	[tilespmem:s1+$0x1C00] =	vst.msk vm4, v12  }
0xc9: {  	[tilespmem:s1+$0x2380] =	vst.msk vm4, v26;
	s1 =	sadd.s32 s1, s0  }
0xca: {  	s22 =	spop (v2sf);
	[tilespmem:s1+$0x1C00] =	vst.msk vm5, v13  }
0xcb: {  	s3 =	sadd.s32 s1, s22;
	[tilespmem:s1+$0x2380] =	vst.msk vm5, v27  }
0xcc: {  	s1 =	spop (v2sf);
	[tilespmem:s3+$0x1C00] =	vst.msk vm6, v15  }
0xcd: {  	s7 =	sadd.s32 s3, s1;
	[tilespmem:s3+$0x2380] =	vst.msk vm6, v28  }
0xce: {  	s3 =	spop (v2sf);
	[tilespmem:s7+$0x1C00] =	vst.msk vm7, v14  }
0xcf: {  	[tilespmem:s7+$0x2380] =	vst.msk vm7, v61;
	s7 =	sadd.s32 s7, s3  }
0xd0: {  	s17 =	spop (v2sf);
	[tilespmem:s7+$0x1C00] =	vst.msk vm8, v16  }
0xd1: {  	s19 =	sadd.s32 s7, s17;
	[tilespmem:s7+$0x2380] =	vst.msk vm8, v29  }
0xd2: {  	s7 =	spop (v2sf);
	[tilespmem:s19+$0x1C00] =	vst.msk vm10, v18  }
0xd3: {  	s18 =	spop (v2sf);
	s24 =	sadd.s32 s19, s7;
	[tilespmem:s19+$0x2380] =	vst.msk vm10, v30  }
0xd4: {  	s19 =	spop (v2sf);
	s8 =	sadd.s32 s24, s18;
	[tilespmem:s24+$0x1C00] =	vst.msk vm9, v19  }
0xd5: {  	[tilespmem:s24+$0x2380] =	vst.msk vm9, v32;
	s24 =	sadd.s32 s8, s19  }
0xd6: {  	p0 =	slt.s32 s24, $0x6C0  }
.Ltmp5:
0xd7: {  	_ = 	snop;
	(pc) =	sbr.rel @p0 .LBB2_11-.Ltmp5, $3  }
0xd8: {  	_ =	sdelay $0x1  }
0xd9: {  	[tilespmem:s8+$0x1C00] =	vst.msk vm15, v17  }
0xda: {  	[tilespmem:s8+$0x2380] =	vst.msk vm15, v62  }
0xdb: {  	p0 =	sgt.u32 s24, $0x77F  }
.Ltmp6:
0xdc: {  	_ = 	snop;
	(pc) =	sbr.rel @p0 .LBB2_10-.Ltmp6, $1  }
0xdd: {  	_ =	sdelay $0x3  }
0xde: {  	s8 =	sadd.s32 s29, s28  }
0xdf: {  	s8 =	sadd.s32 s30, s8  }
0xe0: {  	s8 =	sadd.s32 s31, s8  }
0xe1: {  	s0 =	sadd.s32 s0, s8  }
0xe2: {  	s0 =	sadd.s32 s22, s0  }
0xe3: {  	s0 =	sadd.s32 s1, s0  }
0xe4: {  	s0 =	sadd.s32 s3, s0  }
0xe5: {  	s0 =	sadd.s32 s17, s0  }
0xe6: {  	s0 =	sadd.s32 s7, s0  }
0xe7: {  	s0 =	sadd.s32 s18, s0  }
0xe8: {  	s0 =	sadd.s32 s19, s0  }
0xe9: {  	s0 =	sadd.s32 s26, s0  }
0xea: {  	s30 =	sshrl.u32 s0, $0x4  }
0xeb: {  	s31 =	sshll.u32 s30, $0x6  }
0xec: {  	s3 =	sshra.s32 s31, $0x2  }
0xed: {  	s1 =	sadd.s32 $0xFFFFFFFF, s30;
	s3 =	sadd.s32 $0x1C00, s3  }
0xee: {  	s1 =	sadd.s32 $0x1, s1;
	v9 =	vld [tilespmem:s3+$0x0]  }
0xef: {  	p0 =	slt.u32 s1, $0x77  }
.Ltmp7:
0xf0: {  	s0 =	sand.u32 $0xFFFFFFF0, s0;
	(pc) =	sbr.rel @!p0 .LBB2_10-.Ltmp7, $4  }
0xf1: {  	v8 =	vmov s24;
	v10 =	vor.u32 s0, v1  }
0xf2: {  	vm0 =	vlt.s32 v10, v8  }
0xf3: {  	v9 =	vnsel vm0, $0xFFFFFFFF, v9  }
0xf4: {  	[tilespmem:s3+$0x0] =	vst v9;
	s3 =	sadd.s32 $0x10, s3  }
.LBB2_9:
0xf5: {  	v9 =	vld [tilespmem:s3+$0x0];
	s1 =	sadd.s32 $0x1, s1  }
0xf6: {  	p0 =	slt.u32 s1, $0x77  }
.Ltmp8:
0xf7: {  	s0 =	sadd.s32 $0x10, s0;
	(pc) =	sbr.rel @p0 .LBB2_9-.Ltmp8, $4  }
0xf8: {  	v10 =	vor.u32 s0, v1  }
0xf9: {  	vm0 =	vlt.s32 v10, v8  }
0xfa: {  	v9 =	vnsel vm0, $0xFFFFFFFF, v9  }
0xfb: {  	[tilespmem:s3+$0x0] =	vst v9;
	s3 =	sadd.s32 $0x10, s3  }
.Ltmp9:
0xfc: {  	_ = 	snop;
	(pc) =	sbr.rel .LBB2_10-.Ltmp9, $1  }
0xfd: {  	_ =	sdelay $0x3  }
.LBB2_12:
0xfe: {  	p0 =	seq.s32 s23, $0x7F  }
0xff: {  	s0 =	smul.u32 @!p0 $0xD80, s23;
	_ =	sdelay $0x1  }
0x100: {  	s0 =	sadd.s32 @!p0 s0, s20  }
0x101: {  	s0 =	sshrl.u32 @!p0 s0, $0x3  }
0x102: {  	s3 =	simm.s32 @!p0 $0x0;
	s1 =	sadd.s32 @!p0 s5, s0  }
0x103: {  	[tilespmem:s3], [sflag:$0x1] =	stream.linear.gather @!p0 [hbm4b:s1+s3], $0x6C0, $0x38;
	[tilespmem:$0x1FF00] =	vst v63  }
0x104: {  	s0 =	sadd.s32 @!p0 s6, s0;
	s1 =	simm.s32 @!p0 $0x700  }
0x105: {  	[tilespmem:s1], [sflag:$0x1] =	stream.linear.gather @!p0 [hbm4b:s0+s3], $0x6C0, $0x38;
	[tilespmem:$0x1FF00] =	vst v63  }
0x106: {  	_ =	swait.ge [sflag:s16], $0x6C0  }
.Ltmp10:
0x107: {  	[sflag:s16] =	ssyncset.done $0x0;
	(pc) =	sbr.rel .LBB2_13-.Ltmp10, $4  }
0x108: {  	[sflag:s16] =	ssyncadd.s32 $0xFFFFF940  }
0x109: {  	_ =	swait.ge [sflag:s16], $0x6C0  }
0x10a: {  	[sflag:s16] =	ssyncset.done $0x0  }
0x10b: {  	s25 =	simm.s32 $0x0;
	[sflag:s16] =	ssyncadd.s32 $0xFFFFF940  }
.LBB2_17:
0x10c: {  	(ifvalue) =	ssetifvalue $0xFFFFFFFF  }
0x10d: {  	[spmem:s2] =	stream.indirect.scatter.add.f32 [tilespmem:s15], [sflag:$0x4], $0x1, s14, s13, $0x40b8;
	[tilespmem:$0x1FF00] =	vst v63  }
0x10e: {  	_ =	swait.ge [sflag:s9], $0x780  }
0x10f: {  	[sflag:s9] =	ssyncset.done $0x0  }
0x110: {  	[sflag:s9] =	ssyncadd.s32 $0xFFFFF880  }
.LBB2_18:
0x111: {  	s25 =	sadd.s32 $0x1, s25  }
0x112: {  	p2 =	sne.s32 s25, $0x9  }
.Ltmp11:
0x113: {  	_ = 	snop;
	(pc) =	sbr.rel @!p2 .LBB2_19-.Ltmp11, $3  }
0x114: {  	_ =	sdelay $0x1  }
0x115: {  	p1 =	sgt.s32 s24, $0x6BF  }
0x116: {  	s24 =	simm.s32 @p1 $0x0  }
.LBB2_13:
0x117: {  	s26 =	smul.u32 $0xC0, s25;
	_ =	sdelay $0x1  }
0x118: {  	v8 =	vld [tilespmem:s26+$0xE00]  }
0x119: {  	v9 =	vld [tilespmem:s26+$0xE10]  }
0x11a: {  	v10 =	vld [tilespmem:s26+$0xE20]  }
0x11b: {  	v11 =	vld [tilespmem:s26+$0xE30]  }
0x11c: {  	v12 =	vld [tilespmem:s26+$0xE40]  }
0x11d: {  	v13 =	vld [tilespmem:s26+$0xE50]  }
0x11e: {  	v16 =	vld [tilespmem:s26+$0xE60]  }
0x11f: {  	v18 =	vld [tilespmem:s26+$0xE90]  }
0x120: {  	s0 =	sand.u32 $0xFC0, s26;
	v19 =	vld [tilespmem:s26+$0xEA0];
	v8 =	vshrl.u32 v8, $0x5  }
0x121: {  	v17 =	vld [tilespmem:s0+$0xE80];
	v9 =	vshrl.u32 v9, $0x5;
	v10 =	vshrl.u32 v10, $0x5;
	v11 =	vshrl.u32 v11, $0x5  }
0x122: {  	v12 =	vshrl.u32 v12, $0x5;
	v13 =	vshrl.u32 v13, $0x5;
	v8 =	vcvt.s32.f32 v8  }
0x123: {  	v16 =	vshrl.u32 v16, $0x5;
	v9 =	vcvt.s32.f32 v9;
	v10 =	vcvt.s32.f32 v10  }
0x124: {  	v18 =	vshrl.u32 v18, $0x5;
	v11 =	vcvt.s32.f32 v11;
	v12 =	vcvt.s32.f32 v12  }
0x125: {  	v59 =	vld [tilespmem:s26+$0xEB0];
	v19 =	vshrl.u32 v19, $0x5;
	v13 =	vcvt.s32.f32 v13;
	v16 =	vcvt.s32.f32 v16  }
0x126: {  	v17 =	vshrl.u32 v17, $0x5;
	v18 =	vcvt.s32.f32 v18;
	v19 =	vcvt.s32.f32 v19  }
0x127: {  	v58 =	vcvt.s32.f32 v17;
	v8 =	vmul.f32 $3.333333430e-01, v8  }
0x128: {  	v9 =	vmul.f32 $3.333333430e-01, v9;
	v10 =	vmul.f32 $3.333333430e-01, v10  }
0x129: {  	v11 =	vmul.f32 $3.333333430e-01, v11;
	v12 =	vmul.f32 $3.333333430e-01, v12  }
0x12a: {  	v17 =	vshrl.u32 v59, $0x5;
	v13 =	vmul.f32 $3.333333430e-01, v13;
	v16 =	vmul.f32 $3.333333430e-01, v16  }
0x12b: {  	v18 =	vmul.f32 $3.333333430e-01, v18;
	v17 =	vcvt.s32.f32 v17  }
0x12c: {  	v19 =	vmul.f32 $3.333333430e-01, v19;
	v8 =	vtrunc.f32 v8  }
0x12d: {  	v9 =	vtrunc.f32 v9;
	v10 =	vtrunc.f32 v10  }
0x12e: {  	v11 =	vtrunc.f32 v11;
	v12 =	vtrunc.f32 v12  }
0x12f: {  	v13 =	vtrunc.f32 v13;
	v16 =	vtrunc.f32 v16  }
0x130: {  	v18 =	vtrunc.f32 v18;
	v17 =	vmul.f32 $3.333333430e-01, v17  }
0x131: {  	v19 =	vtrunc.f32 v19;
	v8 =	vcvt.f32.s32 v8  }
0x132: {  	v9 =	vcvt.f32.s32 v9;
	v10 =	vcvt.f32.s32 v10  }
0x133: {  	v11 =	vcvt.f32.s32 v11;
	v12 =	vcvt.f32.s32 v12  }
0x134: {  	v13 =	vcvt.f32.s32 v13;
	v56 =	vcvt.f32.s32 v16  }
0x135: {  	v16 =	vmul.f32 $3.333333430e-01, v58;
	v18 =	vcvt.f32.s32 v18;
	v8 =	vmul.u32 $0x60, v8  }
0x136: {  	v53 =	vld [tilespmem:s26+$0xE70];
	v19 =	vcvt.f32.s32 v19;
	v17 =	vtrunc.f32 v17  }
0x137: {  	v9 =	vmul.u32 $0x60, v9;
	v10 =	vmul.u32 $0x60, v10;
	v8 =	vadd.s32 v2, v8  }
0x138: {  	v11 =	vmul.u32 $0x60, v11;
	v12 =	vmul.u32 $0x60, v12;
	vm1 =	vlt.u32 v8, $0x1B0000  }
0x139: {  	v13 =	vmul.u32 $0x60, v13;
	v9 =	vadd.s32 v3, v9;
	v14 =	vmpcnt.ones.xlane vm1  }
0x13a: {  	v16 =	vtrunc.f32 v16;
	v10 =	vadd.s32 v4, v10;
	vm0 =	vlt.u32 v9, $0x1B0000  }
0x13b: {  	v15 =	vmpcnt.ones.xlane vm0;
	(v2sf) =	vpush v14, $0x0;
	v14 =	vshrl.u32 v53, $0x5  }
0x13c: {  	v11 =	vadd.s32 v5, v11;
	vm2 =	vlt.u32 v10, $0x1B0000;
	v14 =	vcvt.s32.f32 v14  }
0x13d: {  	v12 =	vadd.s32 v6, v12;
	v54 =	vmpcnt.ones.xlane vm2;
	(v2sf) =	vpush v15, $0x0  }
0x13e: {  	v13 =	vadd.s32 v7, v13;
	vm3 =	vlt.u32 v11, $0x1B0000;
	v14 =	vmul.f32 $3.333333430e-01, v14  }
0x13f: {  	v20 =	vld [tilespmem:s26+$0x1500];
	vm4 =	vlt.u32 v12, $0x1B0000;
	v55 =	vmpcnt.ones.xlane vm3;
	(v2sf) =	vpush v54, $0x0  }
0x140: {  	v22 =	vld [tilespmem:s26+$0x1510];
	vm5 =	vlt.u32 v13, $0x1B0000;
	v57 =	vmpcnt.ones.xlane vm4;
	v14 =	vtrunc.f32 v14  }
0x141: {  	v24 =	vld [tilespmem:s26+$0x1520];
	v15 =	vmul.u32 $0x60, v56;
	(v2sf) =	vpush v55, $0x0;
	v14 =	vcvt.f32.s32 v14  }
0x142: {  	v25 =	vld [tilespmem:s26+$0x1530];
	v16 =	vcvt.f32.s32 v16;
	v21 =	vmpcnt.ones.xlane vm5  }
0x143: {  	v26 =	vld [tilespmem:s26+$0x1540];
	v15 =	vadd.s32 v2, v15;
	(v2sf) =	vpush v57, $0x0;
	v14 =	vmul.u32 $0x60, v14  }
0x144: {  	v27 =	vld [tilespmem:s26+$0x1550];
	v18 =	vmul.u32 $0x60, v18;
	v16 =	vmul.u32 $0x60, v16;
	vm6 =	vlt.u32 v15, $0x1B0000  }
0x145: {  	v28 =	vld [tilespmem:s26+$0x1560];
	v23 =	vmpcnt.ones.xlane vm6;
	(v2sf) =	vpush v21, $0x0;
	v14 =	vadd.s32 v3, v14  }
0x146: {  	v61 =	vld [tilespmem:s26+$0x1570];
	v17 =	vcvt.f32.s32 v17;
	v19 =	vmul.u32 $0x60, v19;
	vm7 =	vlt.u32 v14, $0x1B0000  }
0x147: {  	v30 =	vld [tilespmem:s26+$0x1590];
	v16 =	vadd.s32 v4, v16;
	(v2sf) =	vpush v23, $0x0;
	v60 =	vmpcnt.ones.xlane vm7  }
0x148: {  	v32 =	vld [tilespmem:s26+$0x15A0];
	v18 =	vadd.s32 v5, v18;
	v17 =	vmul.u32 $0x60, v17;
	vm8 =	vlt.u32 v16, $0x1B0000  }
0x149: {  	v62 =	vld [tilespmem:s26+$0x15B0];
	v19 =	vadd.s32 v6, v19;
	v31 =	vmpcnt.ones.xlane vm8;
	(v2sf) =	vpush v60, $0x0  }
0x14a: {  	v29 =	vld [tilespmem:s0+$0x1580];
	vm10 =	vlt.u32 v18, $0x1B0000;
	vm9 =	vlt.u32 v19, $0x1B0000;
	[tilespmem:s24+$0x1C00] =	vst.msk vm1, v8;
	s17 =	spop (v2sf)  }
0x14b: {  	v8 =	vmpcnt.ones.xlane vm10;
	v17 =	vadd.s32 v7, v17;
	[tilespmem:s24+$0x2380] =	vst.msk vm1, v20;
	(v2sf) =	vpush v31, $0x0;
	s0 =	sadd.s32 s24, s17  }
0x14c: {  	v63 =	vmpcnt.ones.xlane vm9;
	vm15 =	vlt.u32 v17, $0x1B0000;
	s1 =	spop (v2sf);
	[tilespmem:s0+$0x1C00] =	vst.msk vm0, v9  }
0x14d: {  	(v2sf) =	vpush v8, $0x0;
	v8 =	vmpcnt.ones.xlane vm15;
	[tilespmem:s0+$0x2380] =	vst.msk vm0, v22;
	s0 =	sadd.s32 s0, s1  }
0x14e: {  	s18 =	spop (v2sf);
	(v2sf) =	vpush v63, $0x0;
	[tilespmem:s0+$0x1C00] =	vst.msk vm2, v10  }
0x14f: {  	(v2sf) =	vpush v8, $0x0;
	[tilespmem:s0+$0x2380] =	vst.msk vm2, v24;
	s0 =	sadd.s32 s0, s18  }
0x150: {  	s19 =	spop (v2sf);
	[tilespmem:s0+$0x1C00] =	vst.msk vm3, v11  }
0x151: {  	[tilespmem:s0+$0x2380] =	vst.msk vm3, v25;
	s0 =	sadd.s32 s0, s19  }
0x152: {  	s22 =	spop (v2sf);
	[tilespmem:s0+$0x1C00] =	vst.msk vm4, v12  }
0x153: {  	[tilespmem:s0+$0x2380] =	vst.msk vm4, v26;
	s0 =	sadd.s32 s0, s22  }
0x154: {  	s24 =	spop (v2sf);
	[tilespmem:s0+$0x1C00] =	vst.msk vm5, v13  }
0x155: {  	[tilespmem:s0+$0x2380] =	vst.msk vm5, v27;
	s0 =	sadd.s32 s0, s24  }
0x156: {  	s26 =	spop (v2sf);
	[tilespmem:s0+$0x1C00] =	vst.msk vm6, v15  }
0x157: {  	[tilespmem:s0+$0x2380] =	vst.msk vm6, v28;
	s0 =	sadd.s32 s0, s26  }
0x158: {  	s28 =	spop (v2sf);
	[tilespmem:s0+$0x1C00] =	vst.msk vm7, v14  }
0x159: {  	[tilespmem:s0+$0x2380] =	vst.msk vm7, v61;
	s0 =	sadd.s32 s0, s28  }
0x15a: {  	s29 =	spop (v2sf);
	[tilespmem:s0+$0x1C00] =	vst.msk vm8, v16  }
0x15b: {  	[tilespmem:s0+$0x2380] =	vst.msk vm8, v29;
	s0 =	sadd.s32 s0, s29  }
0x15c: {  	s30 =	spop (v2sf);
	[tilespmem:s0+$0x1C00] =	vst.msk vm10, v18  }
0x15d: {  	s3 =	spop (v2sf);
	[tilespmem:s0+$0x2380] =	vst.msk vm10, v30;
	s0 =	sadd.s32 s0, s30  }
0x15e: {  	s31 =	spop (v2sf);
	s3 =	sadd.s32 s0, s3  }
0x15f: {  	s24 =	sadd.s32 s3, s31  }
0x160: {  	p1 =	slt.s32 s24, $0x6C0  }
.Ltmp12:
0x161: {  	_ = 	snop;
	(pc) =	sbr.rel @p1 .LBB2_18-.Ltmp12, $4  }
0x162: {  	[tilespmem:s0+$0x1C00] =	vst.msk vm9, v19  }
0x163: {  	[tilespmem:s0+$0x2380] =	vst.msk vm9, v32  }
0x164: {  	[tilespmem:s3+$0x1C00] =	vst.msk vm15, v17  }
0x165: {  	[tilespmem:s3+$0x2380] =	vst.msk vm15, v62  }
0x166: {  	p1 =	sgt.u32 s24, $0x77F  }
.Ltmp13:
0x167: {  	_ = 	snop;
	(pc) =	sbr.rel @p1 .LBB2_17-.Ltmp13, $1  }
0x168: {  	_ =	sdelay $0x3  }
0x169: {  	s1 =	sshrl.u32 s24, $0x4  }
0x16a: {  	s0 =	sshll.u32 s1, $0x6  }
0x16b: {  	s0 =	sshra.s32 s0, $0x2  }
0x16c: {  	s1 =	sadd.s32 $0xFFFFFFFF, s1;
	s3 =	sadd.s32 $0x1C00, s0  }
0x16d: {  	s1 =	sadd.s32 $0x1, s1;
	v9 =	vld [tilespmem:s3+$0x0]  }
0x16e: {  	p1 =	slt.u32 s1, $0x77  }
.Ltmp14:
0x16f: {  	s0 =	sand.u32 $0xFFFFFFF0, s24;
	(pc) =	sbr.rel @!p1 .LBB2_17-.Ltmp14, $4  }
0x170: {  	v8 =	vmov s24;
	v10 =	vor.u32 s0, v1  }
0x171: {  	vm0 =	vlt.s32 v10, v8  }
0x172: {  	v9 =	vnsel vm0, $0xFFFFFFFF, v9  }
0x173: {  	[tilespmem:s3+$0x0] =	vst v9;
	s3 =	sadd.s32 $0x10, s3  }
.LBB2_16:
0x174: {  	v9 =	vld [tilespmem:s3+$0x0];
	s1 =	sadd.s32 $0x1, s1  }
0x175: {  	p1 =	slt.u32 s1, $0x77  }
.Ltmp15:
0x176: {  	s0 =	sadd.s32 $0x10, s0;
	(pc) =	sbr.rel @p1 .LBB2_16-.Ltmp15, $4  }
0x177: {  	v10 =	vor.u32 s0, v1  }
0x178: {  	vm0 =	vlt.s32 v10, v8  }
0x179: {  	v9 =	vnsel vm0, $0xFFFFFFFF, v9  }
0x17a: {  	[tilespmem:s3+$0x0] =	vst v9;
	s3 =	sadd.s32 $0x10, s3  }
.Ltmp16:
0x17b: {  	_ = 	snop;
	(pc) =	sbr.rel .LBB2_17-.Ltmp16, $1  }
0x17c: {  	_ =	sdelay $0x3  }
.LBB2_19:
.Ltmp17:
0x17d: {  	(pc) =	sbr.rel @p0 .LBB2_21-.Ltmp17, $1  }
0x17e: {  	_ =	sdelay $0x3  }
0x17f: {  	s0 =	smul.u32 $0xD80, s23;
	_ =	sdelay $0x1  }
0x180: {  	s0 =	sadd.s32 s0, s21  }
.Ltmp18:
0x181: {  	s0 =	sshrl.u32 s0, $0x3;
	(pc) =	sbr.rel .LBB2_5-.Ltmp18, $4  }
0x182: {  	s3 =	simm.s32 $0xE00;
	s1 =	sadd.s32 s5, s0  }
0x183: {  	[tilespmem:s3], [sflag:$0x2] =	stream.linear.gather [hbm4b:s1+s4], $0x6C0, $0x38;
	[tilespmem:$0x1FF00] =	vst v63  }
0x184: {  	s23 =	sadd.s32 $0x1, s23;
	s0 =	sadd.s32 s6, s0  }
0x185: {  	[tilespmem:s11], [sflag:$0x2] =	stream.linear.gather [hbm4b:s0+s4], $0x6C0, $0x38;
	[tilespmem:$0x1FF00] =	vst v63  }
.LBB2_21:
0x186: {  	s0 =	sand.u32 $0xF, s24  }
0x187: {  	s1 =	sshra.s32 s24, $0x1F;
	p0 =	slt.s32 s24, $0x1;
	p1 =	sne.s32 s0, $0x0  }
0x188: {  	s31 =	sshrl.u32 s1, $0x1C;
	p0 =	por !p0, !p1  }
0x189: {  	s1 =	simm.s32 $0x1;
	s0 =	sadd.s32 s31, s24;
	p0 =	por !p0, !p0  }
0x18a: {  	s0 =	sshra.s32 s0, $0x4;
	s1 =	simm.s32 @!p0 $0x0  }
0x18b: {  	s0 =	ssub.s32 s0, s1  }
0x18c: {  	s3 =	ssub.s32 $0x78, s0  }
0x18d: {  	p1 =	sne.s32 s3, $0x1  }
.Ltmp19:
0x18e: {  	_ = 	snop;
	(pc) =	sbr.rel @!p1 .LBB2_22-.Ltmp19, $4  }
0x18f: {  	s1 =	sshll.u32 s0, $0x6  }
0x190: {  	s1 =	sshra.s32 s1, $0x2  }
0x191: {  	s23 =	sadd.s32 $0x1C00, s1  }
0x192: {  	v2 =	vmov s24;
	p0 =	por $0x0, $0x0;
	s24 =	sshll.u32 s0, $0x4;
	s0 =	sadd.s32 $0xFFFFFFFF, s3;
	v3 =	vld [tilespmem:s23+$0x0]  }
0x193: {  	_ = 	snop  }
0x194: {  	p1 =	sne.s32 s0, $0x1  }
.Ltmp20:
0x195: {  	v4 =	vor.u32 s24, v1;
	(pc) =	sbr.rel @!p1 .LBB2_24-.Ltmp20, $4  }
0x196: {  	vm0 =	vlt.s32 v4, v2  }
0x197: {  	v3 =	vnsel vm0, $0xFFFFFFFF, v3  }
0x198: {  	[tilespmem:s23+$0x0] =	vst v3;
	s23 =	sadd.s32 $0x10, s23  }
0x199: {  	s1 =	sadd.s32 $0xFFFFFFFF, s0;
	p0 =	por $0x1, $0x1;
	s0 =	smov.u32 s24;
	v3 =	vld [tilespmem:s23+$0x0]  }
.LBB2_25:
0x19a: {  	p1 =	sne.s32 s1, $0x1  }
0x19b: {  	s0 =	sadd.s32 $0x10, s0  }
.Ltmp21:
0x19c: {  	v4 =	vor.u32 s0, v1;
	(pc) =	sbr.rel @p1 .LBB2_25-.Ltmp21, $4  }
0x19d: {  	vm0 =	vlt.s32 v4, v2  }
0x19e: {  	v3 =	vnsel vm0, $0xFFFFFFFF, v3  }
0x19f: {  	[tilespmem:s23+$0x0] =	vst v3;
	s23 =	sadd.s32 $0x10, s23  }
0x1a0: {  	s1 =	sadd.s32 $0xFFFFFFFF, s1;
	v3 =	vld [tilespmem:s23+$0x0]  }
.LBB2_26:
0x1a1: {  	s0 =	sadd.s32 @p0 $0x10, s0  }
0x1a2: {  	s24 =	smov.u32 @p0 s0  }
0x1a3: {  	v4 =	vor.u32 s24, v1  }
0x1a4: {  	vm0 =	vlt.s32 v4, v2  }
0x1a5: {  	v2 =	vnsel vm0, $0xFFFFFFFF, v3  }
0x1a6: {  	[tilespmem:s23+$0x0] =	vst v2;
	(ifvalue) =	ssetifvalue $0xFFFFFFFF  }
0x1a7: {  	[spmem:s2] =	stream.indirect.scatter.add.f32 [tilespmem:s15], [sflag:$0x4], $0x1, s14, s13, $0x40b8;
	[tilespmem:$0x1FF00] =	vst v63  }
0x1a8: {  	_ =	swait.ge [sflag:s9], $0x780  }
0x1a9: {  	s1 =	sld [smem:$0x7FD]  }
0x1aa: {  	[sflag:s9] =	ssyncset.done $0x0  }
0x1ab: {  	s28 =	rddreg [dreg:$0xe];
	[sflag:s9] =	ssyncadd.s32 $0xFFFFF880  }
0x1ac: {  	s29 =	stileid.u32;
	[bflag:$0x0] =	sbarrier.arrive $0xFFFF;
	s0 =	sadd.s32 s28, s1  }
0x1ad: {  	s1 =	sshll.u32 s29, $0x6;
	s3 =	rddreg [dreg:$0x1];
	s0 =	sshrl.u32 s0, $0x3  }
0x1ae: {  	s30 =	rddreg [dreg:$0x14];
	s1 =	sor.u32 $0x1C04, s1;
	s0 =	sadd.s32 s3, s0  }
0x1af: {  	[hbm:s0], [sflag:s1] =	dma.local [spmem:s30], $0x3600  }
0x1b0: {  	_ =	swait.ge [sflag:s9], $0x3600  }
0x1b1: {  	s31 =	rddreg [dreg:$0x1f]  }
0x1b2: {  	s3 =	sadd.s32 $0x1, s31  }
0x1b3: {  	p0 =	sne.s32 s3, $0x10  }
.Ltmp22:
0x1b4: {  	_ = 	snop;
	(pc) =	sbr.rel @p0 .LBB2_4-.Ltmp22, $4  }
.Ltmp23:
0x1b5: {  	[sflag:s9] =	ssyncset.done $0x0;
	(pc) =	sbr.rel @!p0 .LBB2_27-.Ltmp23, $4  }
0x1b6: {  	[sflag:s9] =	ssyncadd.s32 $0xFFFFCA00  }
0x1b7: {  	[bflag:$0x0] =	sbarrier.arrive $0xFFFF  }
0x1b8: {  	_ = 	snop  }
0x1b9: {  	_ = 	snop  }
.LBB2_22:
.Ltmp24:
0x1ba: {  	(pc) =	sbr.rel .LBB2_26-.Ltmp24, $2  }
0x1bb: {  	_ =	sdelay $0x2  }
0x1bc: {  	s0 =	smov.u32 s24  }
.LBB2_24:
.Ltmp25:
0x1bd: {  	(pc) =	sbr.rel .LBB2_26-.Ltmp25, $2  }
0x1be: {  	_ =	sdelay $0x2  }
0x1bf: {  	s0 =	smov.u32 s24  }
.LBB2_28:
0x1c0: {  	_ =	sfence.sel $0x180000  }
0x1c1: {  	[bflag:$0x0] =	sbarrier.arrive $0xFFFF  }
0x1c2: {  	_ =	strace $0x90000047  }
0x1c3: {  	s0 =	stileid.u32;
	[bflag:$0x2] =	sbarrier.arrive $0xFFFF  }
0x1c4: {  	p0 =	sne.s32 s0, $0x0;
	s0 =	rddreg [dreg:$0x3]  }
0x1c5: {  	s0 =	sadd.s32 @!p0 $0x100000, s0  }
0x1c6: {  	[sflag:s0] =	ssyncadd.tile.s32 @!p0 $0x1;
	_ =	shalt  }
.Lfunc_end2:
_tile_overlayer_lowered:
.L_overlay_start_2:
0x1c7: {  	(tag) =	ssettag $0x2  }
0x1c8: {  	s0 =	rddreg [dreg:$0x0];
	s2 =	stileid.u32  }
0x1c9: {  	s1 =	rddreg [dreg:$0x1];
	p0 =	sne.s32 s2, $0x0  }
0x1ca: {  	s3 =	rddreg [dreg:$0x2];
	[bflag:$0x3] =	sbarrier.arrive $0xFFFF;
	s2 =	simm.s32 @!p0 $0x1C04  }
0x1cb: {  	[timem:s3], [sflag:s2] =	dma.local @!p0 [hbm:s0], s1  }
0x1cc: {  	s0 =	simm.s32 @!p0 $0x4  }
0x1cd: {  	_ =	swait.ge @!p0 [sflag:s0], s1  }
0x1ce: {  	s1 =	ssub.s32 @!p0 $0x0, s1;
	[sflag:s0] =	ssyncset.done @!p0 $0x0  }
0x1cf: {  	[sflag:s0] =	ssyncadd.s32 @!p0 s1  }
0x1d0: {  	[bflag:$0x3] =	sbarrier.arrive $0xFFFF  }
0x1d1: {  	_ =	shalt  }

// kernel: sparse-core-data-format-call.cloned.1.call-start
scs
called_computation_lowered:
.L_overlay_start_0:
0x0: {  	s2 =	sld [smem:$0x3FD9]  }
0x1: {  	s3 =	sld [smem:$0x3FFE];
	_ =	sdelay $0x1  }
0x2: {  	s1 =	srdreg.scid  }
0x3: {  	s0 =	sand.u32 $0x1, s1  }
0x4: {  	s18 =	sshll.u32 s0, $0xA;
	s2 =	sadd.s32 s3, s2  }
0x5: {  	s2 =	sadd.s32 s2, s18  }
0x6: {  	[smem:$0x3FC6] =	sst s2  }
0x7: {  	_ = 	snop  }
0x8: {  	s2 =	sld [smem:$0x3FD0];
	(tm) =	ssettm $0x1  }
0x9: {  	s19 =	sld [smem:$0x3FFB];
	_ =	sdelay $0x3  }
0xa: {  	_ =	strace s19  }
0xb: {  	s3 =	sld [smem:$0x3FFC];
	_ =	sdelay $0x3  }
0xc: {  	_ =	strace s3  }
0xd: {  	s3 =	sld [smem:$0x3FFD];
	_ =	sdelay $0x3  }
0xe: {  	_ =	strace s3  }
0xf: {  	_ =	strace $0x8FFFFFFF  }
0x10: {  	s20 =	sld [smem:$0x3FDB];
	_ =	sdelay $0x1  }
0x11: {  	s4 =	simm.s32 $_scs_section_size  }
0x12: {  	s5 =	simm.s32 $_size__tile_overlayer_lowered;
	s6 =	simm.s32 $_tile_overlayer_lowered  }
0x13: {  	s23 =	simm.s32 $0x1BFF;
	s22 =	sshll.u32 s6, $0x1;
	s3 =	sadd.s32 s4, s20  }
0x14: {  	s7 =	simm.s32 $0x0;
	s21 =	sshll.u32 s5, $0x1;
	s5 =	sadd.s32 s22, s3  }
0x15: {  	[timem:s7], [sflag:s23] =	dma.local [hbm:s5], s21  }
0x16: {  	_ =	swait.ge [sflag:s23], s21  }
0x17: {  	s4 =	ssub.s32 $0x0, s21;
	[sflag:s23] =	ssyncset.done $0x0  }
0x18: {  	[sflag:s23] =	ssyncadd.s32 s4;
	_ =	sdelay $0x1  }
0x19: {  	s24 =	simm.s32 $0x1B8B  }
0x1a: {  	_ =	swait.ge [sflag:s24], $0x1  }
0x1b: {  	[sflag:s24] =	ssyncset.done $0x0  }
0x1c: {  	s26 =	simm.s32 $0x1B8E;
	s25 =	sld [smem:$0x3FFE];
	[sflag:s24] =	ssyncadd.s32 $0xFFFFFFFF  }
0x1d: {  	s27 =	simm.s32 $execute0_lowered;
	[smem:$0x3FD2] =	sst s26  }
0x1e: {  	s5 =	sshll.u32 s27, $0x1;
	_ =	strace $0x80000049;
	[dreg:$0x1] =	wrdreg $0xFFFFFFFF  }
0x1f: {  	s28 =	simm.s32 $_size_execute0_lowered;
	s3 =	sadd.s32 s3, s5;
	[dreg:$0x0] =	wrdreg $0x0  }
0x20: {  	s5 =	sshll.u32 s28, $0x1;
	[dreg:$0x2] =	wrdreg s3  }
0x21: {  	[dreg:$0x3] =	wrdreg s5  }
0x22: {  	[dreg:$0x4] =	wrdreg $0xC0  }
0x23: {  	_ =	task [dreg:s7], $0x5FFFF  }
0x24: {  	[dreg:$0x1] =	wrdreg $0xFFFFFFFF  }
0x25: {  	[dreg:$0x0] =	wrdreg $0x60  }
0x26: {  	[dreg:$0x2] =	wrdreg s25  }
0x27: {  	[dreg:$0x3] =	wrdreg s2  }
0x28: {  	[dreg:$0x4] =	wrdreg $0x9  }
0x29: {  	_ =	task.clear_ibuf [dreg:s7], $0x5FFFF;
	_ =	strace $0x90000049  }
0x2a: {  	s29 =	simm.s32 $0x9;
	_ =	strace $0x8000004B  }
0x2b: {  	_ =	swait.ge [sflag:s29], $0x1  }
0x2c: {  	[sflag:s29] =	ssyncadd.s32 $0xFFFFFFFF  }
0x2d: {  	_ =	strace $0x9000004B  }
0x2e: {  	_ =	sfence  }
0x2f: {  	s30 =	sld [smem:$0x0];
	_ =	sdelay $0x2  }
0x30: {  	s31 =	sshll.u32 s1, $0xD;
	s1 =	sshrl.u32 s1, $0x2  }
0x31: {  	s3 =	sand.u32 $0x4000, s31;
	s1 =	sadd.s32 s1, s30  }
0x32: {  	s0 =	sor.u32 s3, s0;
	s1 =	sshll.u32 s1, $0x11  }
0x33: {  	s0 =	sor.u32 s1, s0  }
0x34: {  	s0 =	sadd.s32 $0x8F2B, s0  }
0x35: {  	[sflag:s0] =	ssyncadd.remote.s32 $0x1  }
0x36: {  	_ =	sfence.sel $0xFFFF  }
0x37: {  	[dreg:$0x0] =	wrdreg $0xFFFFFFFF;
	(pc) =	sbr.abs _section_cstart, $3  }
0x38: {  	[dreg:$0x1] =	wrdreg $0xFFFFFFFF  }
0x39: {  	_ =	task.clear_ibuf [dreg:s7], $0x2FFFF;
	_ =	strace $0x9FFFFFFF  }
0x3a: {  	(tm) =	ssettm $0x7FFFFFFF  }
0x3b: {  	_ =	shalt  }
tec
execute0_lowered:
.L_overlay_start_1:
0x0: {  	(tag) =	ssettag $0x1  }
0x1: {  	s3 =	rddreg [dreg:$0x0]  }
0x2: {  	s2 =	rddreg [dreg:$0x1]  }
0x3: {  	s1 =	srdreg.scid;
	s0 =	rddreg [dreg:$0x2];
	_ =	strace $0x8000004A  }
0x4: {  	s7 =	simm.s32 $0x2;
	s15 =	simm.s32 $0x0;
	p0 =	por $0x0, $0x0  }
0x5: {  	s16 =	simm.s32 $0x0;
	s17 =	simm.s32 $0x0;
	s8 =	simm.s32 $0x0  }
0x6: {  	s10 =	simm.s32 $0x0;
	s11 =	simm.s32 $0x0;
	s12 =	simm.s32 $0x0  }
.Ltmp0:
0x7: {  	s9 =	simm.s32 $0x0;
	s4 =	sshll.u32 s1, $0x4;
	(pc) =	sbr.rel .LBB1_1-.Ltmp0, $4  }
0x8: {  	s1 =	stileid.u32;
	s3 =	sadd.s32 $0x800, s3;
	s4 =	sand.u32 $0x10, s4  }
0x9: {  	s5 =	sand.u32 $0x3, s1;
	s6 =	sor.u32 s1, s4;
	s4 =	simm.s32 $0x1  }
0xa: {  	s14 =	smov.u32 s5;
	[sflag:s4] =	ssyncpa.u1 $0x0;
	s6 =	sshrl.u32 s6, $0x2  }
0xb: {  	[sflag:s7] =	ssyncpa.u1 $0x0;
	s7 =	simm.s32 $0xC00;
	s13 =	smov.u32 s6  }
.LBB1_5:
0xc: {  	p1 =	slt.u32 s9, $0x2;
	s18 =	smov.u32 s17  }
0xd: {  	p2 =	sgt.s32 @!p1 s17, $0x3;
	s19 =	sshra.s32 @!p1 s17, $0x1F;
	s20 =	sshra.s32 @!p1 s16, $0x1F  }
0xe: {  	p2 =	por !p2, p1;
	s17 =	sand.u32 @!p1 s19, s17;
	s19 =	smov.u32 s16  }
0xf: {  	s18 =	simm.s32 @p2 $0x3;
	p2 =	sgt.s32 @!p1 s16, $0x17F;
	s16 =	sand.u32 @!p1 s20, s16  }
0x10: {  	s20 =	sshra.s32 @!p1 s15, $0x1F;
	s17 =	ssub.s32 @!p1 s18, s17;
	p3 =	por !p2, p1  }
0x11: {  	s18 =	sadd.s32 @!p1 $0xFFFFFFFD, s17;
	s19 =	simm.s32 @p3 $0x17F;
	s17 =	ssub.s32 @!p1 $0x4, s17  }
0x12: {  	p3 =	sgt.s32 @!p1 s15, $0x100;
	p2 =	sgt.s32 @!p1 s18, $0x0;
	s16 =	ssub.s32 @!p1 s19, s16  }
0x13: {  	p3 =	por !p3, p1;
	s19 =	smov.u32 s15;
	s15 =	sand.u32 @!p1 s20, s15  }
0x14: {  	s17 =	smul.u32 @!p1 $0x60, s17;
	s18 =	sadd.s32 @!p1 $0xFFFFFE81, s16;
	s19 =	simm.s32 @p3 $0x100  }
0x15: {  	s16 =	ssub.s32 @!p1 $0x180, s16;
	p3 =	sgt.s32 @!p1 s18, $0x0;
	s15 =	ssub.s32 @!p1 s19, s15  }
0x16: {  	p2 =	por !p2, p1;
	p3 =	por !p3, p1;
	s18 =	sadd.s32 @!p1 $0xFFFFFF00, s15  }
0x17: {  	s17 =	simm.s32 @!p2 $0x0;
	s16 =	simm.s32 @!p3 $0x0;
	p3 =	sgt.s32 @!p1 s18, $0x7F  }
0x18: {  	s15 =	ssub.s32 @!p1 $0x180, s15;
	p2 =	por !p3, p1;
	s16 =	smul.u32 @!p1 s16, s17  }
0x19: {  	s19 =	smov.u32 s13;
	s18 =	sadd.s32 $0x80, s12;
	s15 =	simm.s32 @!p2 $0x0  }
0x1a: {  	p2 =	sgt.s32 s18, $0x17F;
	s15 =	smul.u32 @!p1 s15, s16;
	s16 =	sadd.s32 $0x8, s13  }
0x1b: {  	s19 =	smov.u32 @p2 s16  }
0x1c: {  	s21 =	smov.u32 s14;
	s16 =	sadd.s32 $0x4, s14;
	p3 =	sgt.s32 s19, $0x17F  }
0x1d: {  	s9 =	sadd.s32 $0x1, s9;
	p0 =	por !p0, !p0;
	s21 =	smov.u32 @p3 s16  }
0x1e: {  	s20 =	simm.s32 @!p1 $0x2;
	s18 =	simm.s32 @p2 $0x0;
	p2 =	sgt.s32 s21, $0x3  }
0x1f: {  	s17 =	smov.u32 s11;
	s21 =	smov.u32 @p2 s5;
	p2 =	sne.s32 s9, $0x92  }
.Ltmp1:
0x20: {  	s11 =	smov.u32 s14;
	s15 =	sand.u32 @!p1 $0x3FFFFFE0, s15;
	(pc) =	sbr.rel @!p2 .LBB1_6-.Ltmp1, $4  }
0x21: {  	_ =	swait.ge @!p1 [sflag:s20], s15;
	s22 =	ssub.s32 @!p1 $0x0, s15;
	s15 =	smov.u32 s8  }
0x22: {  	s16 =	smov.u32 s10;
	s19 =	smov.u32 @p3 s6;
	s8 =	smov.u32 s12  }
0x23: {  	s10 =	smov.u32 s13;
	s12 =	smov.u32 s18;
	[sflag:s20] =	ssyncset.done @!p1 $0x0  }
0x24: {  	s13 =	smov.u32 s19;
	[sflag:s20] =	ssyncadd.s32 @!p1 s22;
	s14 =	smov.u32 s21  }
.LBB1_1:
0x25: {  	p1 =	sgt.u32 s9, $0x8F  }
0x26: {  	s18 =	sand.u32 @!p1 $0x1FFFFFF, s12  }
0x27: {  	s19 =	smulhi.u32 @!p1 $0xAAAAAB, s18  }
0x28: {  	s20 =	smul.u32 @!p1 $0x240000, s14  }
0x29: {  	s19 =	smul.u32 @!p1 $0x180, s19  }
0x2a: {  	s21 =	smul.u32 @!p1 $0x1800, s13  }
0x2b: {  	s20 =	sadd.s32 @!p1 s3, s20;
	s18 =	ssub.s32 @!p1 s18, s19;
	s19 =	sxor.u32 @!p1 $0xFFFFFFFF, s9  }
0x2c: {  	s20 =	sadd.s32 @!p1 s21, s20;
	s19 =	sshll.u32 @!p1 s19, $0xE;
	s18 =	sshll.u32 @!p1 s18, $0x4  }
0x2d: {  	s19 =	sand.u32 @!p1 $0x4000, s19;
	s18 =	sadd.s32 @!p1 s18, s20;
	s20 =	simm.s32 @!p1 $0x0  }
0x2e: {  	[tilespmem:s19], [sflag:$0x1] =	stream.linear.gather @!p1 [hbm4b:s18+s20], $0x4000, $0x38;
	[tilespmem:$0x10100] =	vst v63  }
0x2f: {  	p1 =	seq.s32 s9, $0x0  }
0x30: {  	p2 =	seq.s32 @!p1 s9, $0x91  }
0x31: {  	p1 =	por p1, p2  }
.Ltmp2:
0x32: {  	_ = 	snop;
	(pc) =	sbr.rel @p1 .LBB1_5-.Ltmp2, $1  }
0x33: {  	_ =	sdelay $0x3  }
0x34: {  	s18 =	simm.s32 $0x1  }
0x35: {  	_ =	swait.ge [sflag:s4], $0x4000;
	s18 =	simm.s32 @!p0 $0x0  }
0x36: {  	[sflag:s4] =	ssyncset.done $0x0;
	s19 =	sshll.u32 s18, $0xE  }
0x37: {  	[sflag:s4] =	ssyncadd.s32 $0xFFFFC000;
	s19 =	sor.u32 $0x40, s19  }
0x38: {  	s18 =	smul.u32 $0x10200, s18;
	v0 =	vld [tilespmem:s19+$0x30]  }
0x39: {  	v1 =	vld [tilespmem:s19+$0xFFFFFFD0]  }
0x3a: {  	s18 =	sshrl.u32 s18, $0x2;
	v5 =	vld [tilespmem:s19+$0xFFFFFFE0]  }
0x3b: {  	v6 =	vld [tilespmem:s19+$0xFFFFFFF0];
	s21 =	sor.u32 $0x8000, s18  }
0x3c: {  	s31 =	sand.u32 $0x1, s9;
	v4 =	vld [tilespmem:s19+$0x0];
	s20 =	sadd.s32 $0x0, s21  }
0x3d: {  	v3 =	vld [tilespmem:s19+$0x10];
	s18 =	smul.u32 $0x10200, s31;
	[tilespmem:s20+$0x3870 ss:$0x81] =	vst.msk $0xffff, v0  }
0x3e: {  	v2 =	vld [tilespmem:s19+$0x20];
	[tilespmem:s20+$0x810 ss:$0x81] =	vst.msk $0xffff, v1  }
0x3f: {  	s18 =	sshrl.u32 s18, $0x2;
	v1 =	vld [tilespmem:s19+$0xFFFFFFC0];
	[tilespmem:s20+$0x1020 ss:$0x81] =	vst.msk $0xffff, v5;
	s19 =	sadd.s32 $0x80, s19  }
0x40: {  	s22 =	simm.s32 $0x4;
	s23 =	simm.s32 $0x8;
	s18 =	sor.u32 $0x8000, s18;
	[tilespmem:s20+$0x1830 ss:$0x81] =	vst.msk $0xffff, v6;
	v0 =	vld [tilespmem:s19+$0x30]  }
.LBB1_3:
0x41: {  	p1 =	sne.s32 s23, $0x1FC;
	v5 =	vld [tilespmem:s19+$0xFFFFFFD0];
	[tilespmem:s20+$0x2040 ss:$0x81] =	vst.msk $0xffff, v4  }
0x42: {  	v6 =	vld [tilespmem:s19+$0xFFFFFFE0];
	[tilespmem:s20+$0x2850 ss:$0x81] =	vst.msk $0xffff, v3  }
0x43: {  	s24 =	sshra.s32 s22, $0x2;
	s22 =	smov.u32 s23;
	v7 =	vld [tilespmem:s19+$0xFFFFFFF0];
	[tilespmem:s20+$0x3060 ss:$0x81] =	vst.msk $0xffff, v2  }
.Ltmp3:
0x44: {  	v4 =	vld [tilespmem:s19+$0x0];
	[tilespmem:s20+$0x0 ss:$0x81] =	vst.msk $0xffff, v1;
	s20 =	sadd.s32 s24, s21;
	(pc) =	sbr.rel @p1 .LBB1_3-.Ltmp3, $4  }
0x45: {  	v3 =	vld [tilespmem:s19+$0x10];
	[tilespmem:s20+$0x3870 ss:$0x81] =	vst.msk $0xffff, v0  }
0x46: {  	[tilespmem:s20+$0x810 ss:$0x81] =	vst.msk $0xffff, v5;
	v2 =	vld [tilespmem:s19+$0x20]  }
0x47: {  	v1 =	vld [tilespmem:s19+$0xFFFFFFC0];
	[tilespmem:s20+$0x1020 ss:$0x81] =	vst.msk $0xffff, v6;
	s19 =	sadd.s32 $0x80, s19  }
0x48: {  	s23 =	sadd.s32 $0x4, s23;
	v0 =	vld [tilespmem:s19+$0x30];
	[tilespmem:s20+$0x1830 ss:$0x81] =	vst.msk $0xffff, v7  }
0x49: {  	s23 =	sshll.u32 s8, $0x3  }
0x4a: {  	s24 =	sand.u32 $0x7F, s8;
	s22 =	sshra.s32 s22, $0x2;
	s23 =	sand.u32 $0xFFFFFC00, s23  }
0x4b: {  	p1 =	sgt.s32 s11, $0x3;
	s24 =	sor.u32 s24, s23;
	s23 =	smulhi.u32 $0xAAAAAAAB, s23  }
0x4c: {  	s26 =	sshra.s32 s11, $0x1F;
	s28 =	sshra.s32 s10, $0x1F;
	s25 =	smulhi.u32 $0xAAAAAAAB, s24  }
0x4d: {  	s21 =	sadd.s32 s22, s21;
	s26 =	sand.u32 s26, s11;
	s28 =	sand.u32 s28, s10  }
0x4e: {  	[tilespmem:s20+$0x2040 ss:$0x81] =	vst.msk $0xffff, v4;
	s23 =	sshrl.u32 s23, $0x8;
	s30 =	sshrl.u32 s25, $0x8;
	s25 =	smov.u32 s11  }
0x4f: {  	[tilespmem:s20+$0x2850 ss:$0x81] =	vst.msk $0xffff, v3;
	s27 =	smulhi.u32 $0x2AAAAAB, s23;
	s25 =	simm.s32 @!p1 $0x3;
	p1 =	sgt.s32 s10, $0x17F  }
0x50: {  	[tilespmem:s20+$0x3060 ss:$0x81] =	vst.msk $0xffff, v2;
	s22 =	smul.u32 $0x180, s30;
	s25 =	ssub.s32 s25, s26;
	s26 =	smov.u32 s10  }
0x51: {  	[tilespmem:s20+$0x0 ss:$0x81] =	vst.msk $0xffff, v1;
	s20 =	smov.u32 s8;
	s27 =	smul.u32 $0x60, s27;
	s26 =	simm.s32 @!p1 $0x17F  }
0x52: {  	v5 =	vld [tilespmem:s19+$0xFFFFFFD0];
	s31 =	sadd.s32 $0xFFFFFFFD, s25;
	s25 =	ssub.s32 $0x4, s25;
	s26 =	ssub.s32 s26, s28  }
0x53: {  	v58 =	vld [tilespmem:s19+$0xFFFFFFE0];
	s30 =	sshra.s32 s8, $0x1F;
	s25 =	smul.u32 $0x60, s25;
	s29 =	sadd.s32 $0xFFFFFE81, s26  }
0x54: {  	v59 =	vld [tilespmem:s19+$0xFFFFFFF0];
	p1 =	sgt.s32 s31, $0x0;
	s26 =	ssub.s32 $0x180, s26;
	p2 =	sgt.s32 s29, $0x0  }
0x55: {  	v60 =	vld [tilespmem:s19+$0x0];
	s25 =	simm.s32 @p1 $0x0;
	s26 =	simm.s32 @p2 $0x0;
	p2 =	sgt.s32 s8, $0x100  }
0x56: {  	v61 =	vld [tilespmem:s19+$0x10];
	[tilespmem:s21+$0x3870 ss:$0x81] =	vst.msk $0xffff, v0;
	s28 =	sand.u32 s30, s8;
	s20 =	simm.s32 @!p2 $0x100;
	s31 =	smul.u32 s26, s25  }
0x57: {  	v62 =	vld [tilespmem:s19+$0x20];
	[tilespmem:s21+$0x810 ss:$0x81] =	vst.msk $0xffff, v5;
	s25 =	ssub.s32 s23, s27;
	s27 =	smul.u32 $0x1B0000, s11;
	s20 =	ssub.s32 s20, s28  }
0x58: {  	v63 =	vld [tilespmem:s19+$0xFFFFFFC0];
	[tilespmem:s21+$0x1020 ss:$0x81] =	vst.msk $0xffff, v58;
	s22 =	ssub.s32 s24, s22;
	s28 =	smul.u32 $0x1200, s10;
	s26 =	sadd.s32 $0xFFFFFF00, s20  }
0x59: {  	[tilespmem:s21+$0x1830 ss:$0x81] =	vst.msk $0xffff, v59;
	s19 =	smul.u32 $0x30, s25;
	s20 =	ssub.s32 $0x180, s20;
	p1 =	sgt.s32 s26, $0x7F  }
.Ltmp4:
0x5a: {  	[tilespmem:s21+$0x2040 ss:$0x81] =	vst.msk $0xffff, v60;
	s25 =	sadd.s32 s2, s27;
	s20 =	simm.s32 @p1 $0x0;
	(pc) =	sbr.rel .LBB1_5-.Ltmp4, $4  }
0x5b: {  	[tilespmem:s21+$0x2850 ss:$0x81] =	vst.msk $0xffff, v61;
	s29 =	sand.u32 $0x7, s22;
	s23 =	sadd.s32 s28, s25;
	s20 =	smul.u32 s20, s31  }
0x5c: {  	[tilespmem:s21+$0x3060 ss:$0x81] =	vst.msk $0xffff, v62;
	s22 =	sshrl.u32 s22, $0x3;
	s30 =	sshll.u32 s29, $0x12;
	s19 =	sadd.s32 s19, s23  }
0x5d: {  	[tilespmem:s21+$0x0 ss:$0x81] =	vst.msk $0xffff, v63;
	s19 =	sadd.s32 s22, s19;
	s31 =	sor.u32 $0x400, s30;
	s20 =	sand.u32 $0x3FFFFFE0, s20  }
0x5e: {  	[hbm4b:s19+s31] =	stream.strided.scatter [tilespmem:s18], [sflag:$0x2], s20, s7, s31, $0x20;
	[tilespmem:$0x10100] =	vst v63  }
.LBB1_6:
0x5f: {  	_ =	sfence.sel $0x180000  }
0x60: {  	s2 =	simm.s32 $0x1;
	[bflag:$0x0] =	sbarrier.arrive $0xFFFF  }
0x61: {  	s31 =	simm.s32 $0x2;
	[sflag:s2] =	ssyncpa.u1 $0x1  }
0x62: {  	[sflag:s31] =	ssyncpa.u1 $0x1  }
0x63: {  	p0 =	sne.s32 s1, $0x0;
	_ =	strace $0x9000004A  }
0x64: {  	s0 =	sadd.s32 @!p0 $0x100000, s0;
	[bflag:$0x2] =	sbarrier.arrive $0xFFFF  }
0x65: {  	[sflag:s0] =	ssyncadd.tile.s32 @!p0 $0x1;
	_ =	shalt  }
.Lfunc_end1:
_tile_overlayer_lowered:
.L_overlay_start_2:
0x66: {  	(tag) =	ssettag $0x2  }
0x67: {  	s0 =	rddreg [dreg:$0x0];
	s2 =	stileid.u32  }
0x68: {  	s1 =	rddreg [dreg:$0x1];
	p0 =	sne.s32 s2, $0x0  }
0x69: {  	s3 =	rddreg [dreg:$0x2];
	[bflag:$0x3] =	sbarrier.arrive $0xFFFF;
	s2 =	simm.s32 @!p0 $0x1C01  }
0x6a: {  	[timem:s3], [sflag:s2] =	dma.local @!p0 [hbm:s0], s1  }
0x6b: {  	s0 =	simm.s32 @!p0 $0x1  }
0x6c: {  	_ =	swait.ge @!p0 [sflag:s0], s1  }
0x6d: {  	s1 =	ssub.s32 @!p0 $0x0, s1;
	[sflag:s0] =	ssyncset.done @!p0 $0x0  }
0x6e: {  	[sflag:s0] =	ssyncadd.s32 @!p0 s1  }
0x6f: {  	[bflag:$0x3] =	sbarrier.arrive $0xFFFF  }
0x70: {  	_ =	shalt  }

</sc_bundles>
